<compile_context>
chip_gen: v7x
topology: tpu7x:2x2x1
jax: 0.10.2.dev20260603
libtpu: 0.0.44.dev20260713+nightly
codegen_flags: <defaults>
</compile_context>

<pallas_src>
import functools

import jax
import jax.numpy as jnp
from jax import lax
from jax.experimental import pallas as pl
from jax.experimental.pallas import tpu as pltpu
from jax.experimental.pallas import tpu_sc as plsc

_B = 4
_N = 4096
_D = 32
_K = 16
_WEIGHT = 1.0
_TOTAL = _B * _N

_R = 512
_INF = float("inf")



def _knn_body(cq_ref, ca_ref, idx_ref, w_ref):
    b = pl.program_id(0)
    i = pl.program_id(1)

    cq = cq_ref[0]
    ca = ca_ref[0]

    dx = cq[:, 0:1] - ca[0:1, :]
    dy = cq[:, 1:2] - ca[1:2, :]
    dz = cq[:, 2:3] - ca[2:3, :]
    d2 = dx * dx + dy * dy + dz * dz

    cols = lax.broadcasted_iota(jnp.int32, (_R, _N), 1)
    d2i = lax.bitcast_convert_type(d2, jnp.int32)
    keyi = (d2i & jnp.int32(-4096)) | cols
    sent = jnp.float32(3.4028235e38)

    row_col = i * _R + lax.broadcasted_iota(jnp.int32, (_R, _N), 0)
    key = jnp.where(cols == row_col, sent,
                    lax.bitcast_convert_type(keyi, jnp.float32))

    h = _N // 2
    lo = jnp.minimum(key[:, 0:h], key[:, h:_N])
    hi = jnp.maximum(key[:, 0:h], key[:, h:_N])

    keys = []
    for _ in range(_K - 1):
        m = jnp.min(lo, axis=1, keepdims=True)
        keys.append(m)
        eq = lo == m
        lo = jnp.where(eq, hi, lo)
        hi = jnp.where(eq, sent, hi)

    packed = lax.bitcast_convert_type(
        jnp.concatenate(keys, axis=1), jnp.int32)
    nbr = packed & jnp.int32(0xFFF)
    v = lax.bitcast_convert_type(packed & jnp.int32(-4096), jnp.float32)
    w = 1.0 / (jnp.sqrt(v) + 1e-5)

    row_local = i * _R + lax.broadcasted_iota(jnp.int32, (_R, 1), 0)
    idx_ref[0] = jnp.concatenate([row_local, nbr], axis=1) + b * _N
    w_ref[0] = jnp.concatenate([jnp.zeros((_R, 1), jnp.float32), w], axis=1)


def _knn(coords):
    coords_t = jnp.transpose(coords, (0, 2, 1))
    return pl.pallas_call(
        _knn_body,
        grid=(_B, _N // _R),
        in_specs=[
            pl.BlockSpec((1, _R, 3), lambda b, i: (b, i, 0)),
            pl.BlockSpec((1, 3, _N), lambda b, i: (b, 0, 0)),
        ],
        out_specs=[
            pl.BlockSpec((1, _R, _K), lambda b, i: (b, i, 0)),
            pl.BlockSpec((1, _R, _K), lambda b, i: (b, i, 0)),
        ],
        out_shape=[
            jax.ShapeDtypeStruct((_B, _N, _K), jnp.int32),
            jax.ShapeDtypeStruct((_B, _N, _K), jnp.float32),
        ],
    )(coords, coords_t)



_NC = 2
_NS = 16
_NW = _NC * _NS
_PW = _TOTAL // _NW
_CH = 64
_GL = 128
_NG = (_CH * _K) // _GL


def _tv_body(feats_hbm, idx_hbm, w_hbm, tv_hbm, idx_v, rows_v, of_v, w_v,
             tv_v, sem):
    wid = lax.axis_index("s") * _NC + lax.axis_index("c")

    def chunk_body(c, carry):
        base_pt = pl.multiple_of(wid * _PW + c * _CH, _CH)
        base_row = pl.multiple_of(base_pt * _K // _GL, 8)
        pltpu.sync_copy(idx_hbm.at[pl.ds(base_row, _NG)], idx_v)
        pltpu.sync_copy(w_hbm.at[pl.ds(base_pt * _K, _CH * _K)], w_v)
        pltpu.sync_copy(feats_hbm.at[pl.ds(base_pt, _CH)], of_v)
        copies = []
        for g in range(_NG):
            copies.append(
                pltpu.async_copy(
                    feats_hbm.at[idx_v.at[g]],
                    rows_v.at[pl.ds(g * _GL, _GL)],
                    sem,
                ))
        for cp in copies:
            cp.wait()

        lane = lax.broadcasted_iota(jnp.int32, (16,), 0)

        def pt_body(p, vec):
            o0 = of_v[p, pl.ds(0, 16)]
            o1 = of_v[p, pl.ds(16, 16)]
            wk = w_v[pl.ds(p * _K, _K)]
            acc = jnp.zeros((16,), jnp.float32)
            for k in range(_K):
                r = p * _K + k
                d = (jnp.abs(rows_v[r, pl.ds(0, 16)] - o0)
                     + jnp.abs(rows_v[r, pl.ds(16, 16)] - o1))
                acc = acc + d * wk[k]
            for sh in (8, 4, 2, 1):
                acc = acc + acc.at[lane ^ sh].get(mode="promise_in_bounds")
            vec = jnp.where(lane == (p & 15), acc, vec)

            @pl.when((p & 15) == 15)
            def _store():
                tv_v[pl.ds(p - 15, 16)] = vec

            return vec

        lax.fori_loop(0, _CH, pt_body, jnp.zeros((16,), jnp.float32))
        pltpu.sync_copy(tv_v, tv_hbm.at[pl.ds(base_pt, _CH)])
        return carry

    lax.fori_loop(0, _PW // _CH, chunk_body, 0)


def _tv_sc(feats_flat, idx_flat2d, w_flat):
    kern = pl.kernel(
        _tv_body,
        out_type=jax.ShapeDtypeStruct((_TOTAL,), jnp.float32),
        mesh=plsc.VectorSubcoreMesh(core_axis_name="c", subcore_axis_name="s"),
        scratch_types=[
            pltpu.VMEM((_NG, _GL), jnp.int32),
            pltpu.VMEM((_CH * _K, _D), jnp.float32),
            pltpu.VMEM((_CH, _D), jnp.float32),
            pltpu.VMEM((_CH * _K,), jnp.float32),
            pltpu.VMEM((_CH,), jnp.float32),
            pltpu.SemaphoreType.DMA,
        ],
        compiler_params=pltpu.CompilerParams(use_tc_tiling_on_sc=False),
    )
    return kern(feats_flat, idx_flat2d, w_flat)




def kernel(coords, feats, iteration=0):
    coords = lax.stop_gradient(coords)
    nbr_idx, w = _knn(coords)

    feats_flat = feats.reshape(_TOTAL, _D)
    idx_flat2d = nbr_idx.reshape(_TOTAL * _K // _GL, _GL)
    w_flat = w.reshape(_TOTAL * _K)

    tv_flat = _tv_sc(feats_flat, idx_flat2d, w_flat)
    tv = tv_flat.reshape(_B, _N) * _WEIGHT
    total_loss = tv.mean() + jnp.asarray(iteration, jnp.float32) * 0.0
    return (total_loss, tv)

# --- scband reference (transcript-rebuilt; emitter-appended) ---
"""Pipeline reference for scband-neural-point-cloud-tvloss-5188320494480 (READ-ONLY COPY).

The authoritative reference and input builder live on the scoring server;
editing this copy changes nothing except your own understanding.
"""

import jax, jax.numpy as jnp
import numpy as np

B = 4
N = 4096
D = 32
K = 16
WEIGHT = 1.0

def setup_inputs(seed: int = 0) -> dict:
    key = jax.random.key(seed)
    k1, k2 = jax.random.split(key)
    coords = jax.random.uniform(k1, (B, N, 3), dtype=jnp.float32)
    feats = jax.random.normal(k2, (B, N, D), dtype=jnp.float32)
    return {"coords": coords, "feats": feats, "iteration": jnp.asarray(0, dtype=jnp.int32)}


def _query_keypoints(coords):
    # aggregator.query_keypoints: per-batch KNN over the neural point cloud.
    # Returns global (flattened over B*N) neighbor indices [B, N, K].
    diff = coords[:, :, None, :] - coords[:, None, :, :]  # [B, N, N, 3]
    d2 = jnp.sum(diff * diff, axis=-1)                    # [B, N, N]
    _, nbr = jax.lax.top_k(-d2, K)                        # nearest K (includes self)
    offs = (jnp.arange(B) * N)[:, None, None]
    return nbr + offs


def reference(coords, feats, iteration=0):
    # coords are detached in the original module
    coords = jax.lax.stop_gradient(coords)
    total = B * N

    neighbor_idx = _query_keypoints(coords)  # [B, N, K] global indices, all valid

    # delete self-edges (every point has K>1 valid neighbors -> enough_neighbor_mask true)
    origin_global = (jnp.arange(B) * N)[:, None, None] + jnp.arange(N)[None, :, None]
    identity_mask = neighbor_idx == origin_global
    neighbor_idx = jnp.where(identity_mask, -1, neighbor_idx)

    neighbor_idx = neighbor_idx.reshape(total, K)
    valid = neighbor_idx >= 0
    neighbor_idx = jnp.where(valid, neighbor_idx, 0)

    # mask_to_batch_ray_idx: each neighbor slot maps back to its origin point row
    idx = jnp.broadcast_to(jnp.arange(total)[:, None], (total, K))

    coords_flat = coords.reshape(total, 3)
    feats_flat = feats.reshape(total, D)

    origin_pos = coords_flat[idx]           # gather [total, K, 3]
    nbr_pos = coords_flat[neighbor_idx]     # gather [total, K, 3]
    nbr_feat = feats_flat[neighbor_idx]     # gather [total, K, D]
    origin_feat = feats_flat[idx]           # gather [total, K, D]

    w = 1.0 / (jnp.linalg.norm(nbr_pos - origin_pos, axis=-1) + 1e-5)
    w = jnp.where(valid, w, 0.0)

    # norm accumulator (computed in the original module, unused by the loss value)
    norm = jnp.zeros((total,), dtype=jnp.float32).at[idx.reshape(-1)].add(w.reshape(-1))

    feat_dist = jnp.sum(jnp.abs(nbr_feat - origin_feat), axis=-1)  # L1 over feature dim
    weighted = jnp.where(valid, w * feat_dist, 0.0)

    tv = jnp.zeros((total,), dtype=jnp.float32).at[idx.reshape(-1)].add(weighted.reshape(-1))
    tv = tv.reshape(B, N) * WEIGHT  # pointwise loss
    total_loss = tv.mean() + jnp.asarray(iteration, jnp.float32) * 0.0
    return (total_loss, tv)

if __name__ == "__main__":
    import jax
    _d = setup_inputs()
    print(jax.jit(kernel)(*tuple(_d.values())))

</pallas_src>

<mosaic_0001>
#map = affine_map<(d0, d1) -> (0, 0)>
#map1 = affine_map<(d0, d1) -> (0)>
module attributes {stable_mosaic.version = 14 : i64} {
  func.func @_tv_body(%arg0: i32, %arg1: i32, %arg2: memref<16384x32xf32, #tpu.memory_space<hbm>>, %arg3: memref<2048x128xi32, #tpu.memory_space<hbm>>, %arg4: memref<262144xf32, #tpu.memory_space<hbm>>, %arg5: memref<16384xf32, #tpu.memory_space<hbm>>, %arg6: memref<8x128xi32, #tpu.memory_space<vmem>>, %arg7: memref<1024x32xf32, #tpu.memory_space<vmem>>, %arg8: memref<64x32xf32, #tpu.memory_space<vmem>>, %arg9: memref<1024xf32, #tpu.memory_space<vmem>>, %arg10: memref<64xf32, #tpu.memory_space<vmem>>, %arg11: memref<!tpu.dma_semaphore, #tpu.memory_space<semaphore_mem>>) attributes {dimension_semantics = [#tpu.dimension_semantics<core_parallel>, #tpu.dimension_semantics<subcore_parallel>], iteration_bounds = array<i64: 2, 16>, scalar_prefetch = 0 : i64, scratch_operands = 6 : i64, tpu.core_type = #tpu.core_type<sc_vector_subcore>, window_params = [{transform_indices = #map}, {transform_indices = #map}, {transform_indices = #map1}, {transform_indices = #map1}]} {
    %mul3A = arith.constant 2 : i32
    %mul3A_0 = arith.muli %arg1, %mul3A : i32
    %add3A = arith.addi %mul3A_0, %arg0 : i32
    %scan3A = arith.constant 0 : i32
    %scan3A_1 = arith.constant 0 : i32
    %scan3A_2 = arith.constant 8 : i32
    %scan3A_3 = arith.addi %scan3A_1, %scan3A_2 : i32
    %scan3A_4 = arith.constant 1 : i32
    scf.for %scan3A_6 = %scan3A_1 to %scan3A_3 step %scan3A_4  : i32 {
      %mul3A_7 = arith.constant 512 : i32
      %mul3A_8 = arith.muli %add3A, %mul3A_7 : i32
      %mul3A_9 = arith.constant 64 : i32
      %mul3A_10 = arith.muli %scan3A_6, %mul3A_9 : i32
      %add3A_11 = arith.addi %mul3A_8, %mul3A_10 : i32
      %multiple_of3A = tpu.assume_multiple %add3A_11, 64 : i32
      %mul3A_12 = arith.constant 16 : i32
      %mul3A_13 = arith.muli %multiple_of3A, %mul3A_12 : i32
      %jit3A = arith.constant 128 : i32
      %div3A = arith.divsi %mul3A_13, %jit3A : i32
      %sign3A = arith.constant 0 : i32
      %sign3A_14 = arith.cmpi sgt, %mul3A_13, %sign3A : i32
      %sign3A_15 = arith.extui %sign3A_14 : i1 to i32
      %sign3A_16 = arith.constant 0 : i32
      %sign3A_17 = arith.cmpi slt, %mul3A_13, %sign3A_16 : i32
      %sign3A_18 = arith.extui %sign3A_17 : i1 to i32
      %sign3A_19 = arith.subi %sign3A_15, %sign3A_18 : i32
      %sign3A_20 = arith.constant 0 : i32
      %sign3A_21 = arith.cmpi sgt, %jit3A, %sign3A_20 : i32
      %sign3A_22 = arith.extui %sign3A_21 : i1 to i32
      %sign3A_23 = arith.constant 0 : i32
      %sign3A_24 = arith.cmpi slt, %jit3A, %sign3A_23 : i32
      %sign3A_25 = arith.extui %sign3A_24 : i1 to i32
      %sign3A_26 = arith.subi %sign3A_22, %sign3A_25 : i32
      %ne3A = arith.cmpi ne, %sign3A_19, %sign3A_26 : i32
      %rem3A = arith.remsi %mul3A_13, %jit3A : i32
      %ne3A_27 = arith.constant 0 : i32
      %ne3A_28 = arith.cmpi ne, %rem3A, %ne3A_27 : i32
      %and3A = arith.andi %ne3A, %ne3A_28 : i1
      %sub3A = arith.constant 1 : i32
      %sub3A_29 = arith.subi %div3A, %sub3A : i32
      %select_n3A = arith.select %and3A, %sub3A_29, %div3A : i32
      %multiple_of3A_30 = tpu.assume_multiple %select_n3A, 8 : i32
      "tpu.region"() ({
        %run_scoped3A = tpu.sem_alloc : memref<!tpu.dma_semaphore, #tpu.memory_space<semaphore_mem>>
        %dma_start3A_198 = arith.constant 0 : i32
        %dma_start3A_199 = tpu.memref_slice %arg3[%multiple_of3A_30, %dma_start3A_198] : memref<2048x128xi32, #tpu.memory_space<hbm>> -> memref<8x128xi32, #tpu.memory_space<hbm>>
        %dma_start3A_200 = arith.constant 0 : i32
        %dma_start3A_201 = tpu.memref_slice %arg3[%multiple_of3A_30, %dma_start3A_200] : memref<2048x128xi32, #tpu.memory_space<hbm>> -> memref<8x128xi32, #tpu.memory_space<hbm>>
        tpu.enqueue_dma source(%dma_start3A_201 : memref<8x128xi32, #tpu.memory_space<hbm>>) target(%arg6 : memref<8x128xi32, #tpu.memory_space<vmem>>) target_semaphore(%run_scoped3A : memref<!tpu.dma_semaphore, #tpu.memory_space<semaphore_mem>>)
        %dma_wait3A_202 = arith.constant 0 : i32
        %dma_wait3A_203 = tpu.memref_slice %arg3[%multiple_of3A_30, %dma_wait3A_202] : memref<2048x128xi32, #tpu.memory_space<hbm>> -> memref<8x128xi32, #tpu.memory_space<hbm>>
        %dma_wait3A_204 = arith.constant 0 : i32
        %dma_wait3A_205 = tpu.memref_slice %arg3[%multiple_of3A_30, %dma_wait3A_204] : memref<2048x128xi32, #tpu.memory_space<hbm>> -> memref<8x128xi32, #tpu.memory_space<hbm>>
        tpu.wait_dma2 semaphore(%run_scoped3A : memref<!tpu.dma_semaphore, #tpu.memory_space<semaphore_mem>>) src(%dma_wait3A_205 : memref<8x128xi32, #tpu.memory_space<hbm>>) dst(%arg6 : memref<8x128xi32, #tpu.memory_space<vmem>>)
        tpu.yield
      }) : () -> ()
      %mul3A_31 = arith.constant 16 : i32
      %mul3A_32 = arith.muli %multiple_of3A, %mul3A_31 : i32
      "tpu.region"() ({
        %run_scoped3A = tpu.sem_alloc : memref<!tpu.dma_semaphore, #tpu.memory_space<semaphore_mem>>
        %dma_start3A_198 = tpu.memref_slice %arg4[%mul3A_32] : memref<262144xf32, #tpu.memory_space<hbm>> -> memref<1024xf32, #tpu.memory_space<hbm>>
        %dma_start3A_199 = tpu.memref_slice %arg4[%mul3A_32] : memref<262144xf32, #tpu.memory_space<hbm>> -> memref<1024xf32, #tpu.memory_space<hbm>>
        tpu.enqueue_dma source(%dma_start3A_199 : memref<1024xf32, #tpu.memory_space<hbm>>) target(%arg9 : memref<1024xf32, #tpu.memory_space<vmem>>) target_semaphore(%run_scoped3A : memref<!tpu.dma_semaphore, #tpu.memory_space<semaphore_mem>>)
        %dma_wait3A_200 = tpu.memref_slice %arg4[%mul3A_32] : memref<262144xf32, #tpu.memory_space<hbm>> -> memref<1024xf32, #tpu.memory_space<hbm>>
        %dma_wait3A_201 = tpu.memref_slice %arg4[%mul3A_32] : memref<262144xf32, #tpu.memory_space<hbm>> -> memref<1024xf32, #tpu.memory_space<hbm>>
        tpu.wait_dma2 semaphore(%run_scoped3A : memref<!tpu.dma_semaphore, #tpu.memory_space<semaphore_mem>>) src(%dma_wait3A_201 : memref<1024xf32, #tpu.memory_space<hbm>>) dst(%arg9 : memref<1024xf32, #tpu.memory_space<vmem>>)
        tpu.yield
      }) : () -> ()
      "tpu.region"() ({
        %run_scoped3A = tpu.sem_alloc : memref<!tpu.dma_semaphore, #tpu.memory_space<semaphore_mem>>
        %dma_start3A_198 = arith.constant 0 : i32
        %dma_start3A_199 = tpu.memref_slice %arg2[%multiple_of3A, %dma_start3A_198] : memref<16384x32xf32, #tpu.memory_space<hbm>> -> memref<64x32xf32, #tpu.memory_space<hbm>>
        %dma_start3A_200 = arith.constant 0 : i32
        %dma_start3A_201 = tpu.memref_slice %arg2[%multiple_of3A, %dma_start3A_200] : memref<16384x32xf32, #tpu.memory_space<hbm>> -> memref<64x32xf32, #tpu.memory_space<hbm>>
        tpu.enqueue_dma source(%dma_start3A_201 : memref<64x32xf32, #tpu.memory_space<hbm>>) target(%arg8 : memref<64x32xf32, #tpu.memory_space<vmem>>) target_semaphore(%run_scoped3A : memref<!tpu.dma_semaphore, #tpu.memory_space<semaphore_mem>>)
        %dma_wait3A_202 = arith.constant 0 : i32
        %dma_wait3A_203 = tpu.memref_slice %arg2[%multiple_of3A, %dma_wait3A_202] : memref<16384x32xf32, #tpu.memory_space<hbm>> -> memref<64x32xf32, #tpu.memory_space<hbm>>
        %dma_wait3A_204 = arith.constant 0 : i32
        %dma_wait3A_205 = tpu.memref_slice %arg2[%multiple_of3A, %dma_wait3A_204] : memref<16384x32xf32, #tpu.memory_space<hbm>> -> memref<64x32xf32, #tpu.memory_space<hbm>>
        tpu.wait_dma2 semaphore(%run_scoped3A : memref<!tpu.dma_semaphore, #tpu.memory_space<semaphore_mem>>) src(%dma_wait3A_205 : memref<64x32xf32, #tpu.memory_space<hbm>>) dst(%arg8 : memref<64x32xf32, #tpu.memory_space<vmem>>)
        tpu.yield
      }) : () -> ()
      %dma_start3A = arith.constant 0 : i32
      %dma_start3A_33 = arith.constant 0 : i32
      %dma_start3A_34 = arith.constant 0 : i32
      %dma_start3A_35 = tpu.memref_slice %arg7[%dma_start3A_33, %dma_start3A_34] : memref<1024x32xf32, #tpu.memory_space<vmem>> -> memref<128x32xf32, #tpu.memory_space<vmem>>
      %dma_start3A_36 = arith.constant 0 : i32
      %dma_start3A_37 = tpu.memref_slice %arg6[%dma_start3A, %dma_start3A_36] : memref<8x128xi32, #tpu.memory_space<vmem>> -> memref<1x128xi32, #tpu.memory_space<vmem>>
      %dma_start3A_38 = tpu.memref_squeeze %dma_start3A_37 : memref<1x128xi32, #tpu.memory_space<vmem>> -> memref<128xi32, #tpu.memory_space<vmem>>
      %dma_start3A_39 = arith.constant 0 : i32
      %dma_start3A_40 = arith.constant 0 : i32
      %dma_start3A_41 = tpu.memref_slice %arg2[%dma_start3A_39, %dma_start3A_40] : memref<16384x32xf32, #tpu.memory_space<hbm>> -> memref<16384x32xf32, #tpu.memory_space<hbm>>
      tpu.enqueue_indirect_dma source(%dma_start3A_41 : memref<16384x32xf32, #tpu.memory_space<hbm>>) target(%dma_start3A_35 : memref<128x32xf32, #tpu.memory_space<vmem>>) offsets(%dma_start3A_38 : memref<128xi32, #tpu.memory_space<vmem>>) semaphore(%arg11 : memref<!tpu.dma_semaphore, #tpu.memory_space<semaphore_mem>>)
      %dma_start3A_42 = arith.constant 1 : i32
      %dma_start3A_43 = arith.constant 128 : i32
      %dma_start3A_44 = arith.constant 0 : i32
      %dma_start3A_45 = tpu.memref_slice %arg7[%dma_start3A_43, %dma_start3A_44] : memref<1024x32xf32, #tpu.memory_space<vmem>> -> memref<128x32xf32, #tpu.memory_space<vmem>>
      %dma_start3A_46 = arith.constant 0 : i32
      %dma_start3A_47 = tpu.memref_slice %arg6[%dma_start3A_42, %dma_start3A_46] : memref<8x128xi32, #tpu.memory_space<vmem>> -> memref<1x128xi32, #tpu.memory_space<vmem>>
      %dma_start3A_48 = tpu.memref_squeeze %dma_start3A_47 : memref<1x128xi32, #tpu.memory_space<vmem>> -> memref<128xi32, #tpu.memory_space<vmem>>
      %dma_start3A_49 = arith.constant 0 : i32
      %dma_start3A_50 = arith.constant 0 : i32
      %dma_start3A_51 = tpu.memref_slice %arg2[%dma_start3A_49, %dma_start3A_50] : memref<16384x32xf32, #tpu.memory_space<hbm>> -> memref<16384x32xf32, #tpu.memory_space<hbm>>
      tpu.enqueue_indirect_dma source(%dma_start3A_51 : memref<16384x32xf32, #tpu.memory_space<hbm>>) target(%dma_start3A_45 : memref<128x32xf32, #tpu.memory_space<vmem>>) offsets(%dma_start3A_48 : memref<128xi32, #tpu.memory_space<vmem>>) semaphore(%arg11 : memref<!tpu.dma_semaphore, #tpu.memory_space<semaphore_mem>>)
      %dma_start3A_52 = arith.constant 2 : i32
      %dma_start3A_53 = arith.constant 256 : i32
      %dma_start3A_54 = arith.constant 0 : i32
      %dma_start3A_55 = tpu.memref_slice %arg7[%dma_start3A_53, %dma_start3A_54] : memref<1024x32xf32, #tpu.memory_space<vmem>> -> memref<128x32xf32, #tpu.memory_space<vmem>>
      %dma_start3A_56 = arith.constant 0 : i32
      %dma_start3A_57 = tpu.memref_slice %arg6[%dma_start3A_52, %dma_start3A_56] : memref<8x128xi32, #tpu.memory_space<vmem>> -> memref<1x128xi32, #tpu.memory_space<vmem>>
      %dma_start3A_58 = tpu.memref_squeeze %dma_start3A_57 : memref<1x128xi32, #tpu.memory_space<vmem>> -> memref<128xi32, #tpu.memory_space<vmem>>
      %dma_start3A_59 = arith.constant 0 : i32
      %dma_start3A_60 = arith.constant 0 : i32
      %dma_start3A_61 = tpu.memref_slice %arg2[%dma_start3A_59, %dma_start3A_60] : memref<16384x32xf32, #tpu.memory_space<hbm>> -> memref<16384x32xf32, #tpu.memory_space<hbm>>
      tpu.enqueue_indirect_dma source(%dma_start3A_61 : memref<16384x32xf32, #tpu.memory_space<hbm>>) target(%dma_start3A_55 : memref<128x32xf32, #tpu.memory_space<vmem>>) offsets(%dma_start3A_58 : memref<128xi32, #tpu.memory_space<vmem>>) semaphore(%arg11 : memref<!tpu.dma_semaphore, #tpu.memory_space<semaphore_mem>>)
      %dma_start3A_62 = arith.constant 3 : i32
      %dma_start3A_63 = arith.constant 384 : i32
      %dma_start3A_64 = arith.constant 0 : i32
      %dma_start3A_65 = tpu.memref_slice %arg7[%dma_start3A_63, %dma_start3A_64] : memref<1024x32xf32, #tpu.memory_space<vmem>> -> memref<128x32xf32, #tpu.memory_space<vmem>>
      %dma_start3A_66 = arith.constant 0 : i32
      %dma_start3A_67 = tpu.memref_slice %arg6[%dma_start3A_62, %dma_start3A_66] : memref<8x128xi32, #tpu.memory_space<vmem>> -> memref<1x128xi32, #tpu.memory_space<vmem>>
      %dma_start3A_68 = tpu.memref_squeeze %dma_start3A_67 : memref<1x128xi32, #tpu.memory_space<vmem>> -> memref<128xi32, #tpu.memory_space<vmem>>
      %dma_start3A_69 = arith.constant 0 : i32
      %dma_start3A_70 = arith.constant 0 : i32
      %dma_start3A_71 = tpu.memref_slice %arg2[%dma_start3A_69, %dma_start3A_70] : memref<16384x32xf32, #tpu.memory_space<hbm>> -> memref<16384x32xf32, #tpu.memory_space<hbm>>
      tpu.enqueue_indirect_dma source(%dma_start3A_71 : memref<16384x32xf32, #tpu.memory_space<hbm>>) target(%dma_start3A_65 : memref<128x32xf32, #tpu.memory_space<vmem>>) offsets(%dma_start3A_68 : memref<128xi32, #tpu.memory_space<vmem>>) semaphore(%arg11 : memref<!tpu.dma_semaphore, #tpu.memory_space<semaphore_mem>>)
      %dma_start3A_72 = arith.constant 4 : i32
      %dma_start3A_73 = arith.constant 512 : i32
      %dma_start3A_74 = arith.constant 0 : i32
      %dma_start3A_75 = tpu.memref_slice %arg7[%dma_start3A_73, %dma_start3A_74] : memref<1024x32xf32, #tpu.memory_space<vmem>> -> memref<128x32xf32, #tpu.memory_space<vmem>>
      %dma_start3A_76 = arith.constant 0 : i32
      %dma_start3A_77 = tpu.memref_slice %arg6[%dma_start3A_72, %dma_start3A_76] : memref<8x128xi32, #tpu.memory_space<vmem>> -> memref<1x128xi32, #tpu.memory_space<vmem>>
      %dma_start3A_78 = tpu.memref_squeeze %dma_start3A_77 : memref<1x128xi32, #tpu.memory_space<vmem>> -> memref<128xi32, #tpu.memory_space<vmem>>
      %dma_start3A_79 = arith.constant 0 : i32
      %dma_start3A_80 = arith.constant 0 : i32
      %dma_start3A_81 = tpu.memref_slice %arg2[%dma_start3A_79, %dma_start3A_80] : memref<16384x32xf32, #tpu.memory_space<hbm>> -> memref<16384x32xf32, #tpu.memory_space<hbm>>
      tpu.enqueue_indirect_dma source(%dma_start3A_81 : memref<16384x32xf32, #tpu.memory_space<hbm>>) target(%dma_start3A_75 : memref<128x32xf32, #tpu.memory_space<vmem>>) offsets(%dma_start3A_78 : memref<128xi32, #tpu.memory_space<vmem>>) semaphore(%arg11 : memref<!tpu.dma_semaphore, #tpu.memory_space<semaphore_mem>>)
      %dma_start3A_82 = arith.constant 5 : i32
      %dma_start3A_83 = arith.constant 640 : i32
      %dma_start3A_84 = arith.constant 0 : i32
      %dma_start3A_85 = tpu.memref_slice %arg7[%dma_start3A_83, %dma_start3A_84] : memref<1024x32xf32, #tpu.memory_space<vmem>> -> memref<128x32xf32, #tpu.memory_space<vmem>>
      %dma_start3A_86 = arith.constant 0 : i32
      %dma_start3A_87 = tpu.memref_slice %arg6[%dma_start3A_82, %dma_start3A_86] : memref<8x128xi32, #tpu.memory_space<vmem>> -> memref<1x128xi32, #tpu.memory_space<vmem>>
      %dma_start3A_88 = tpu.memref_squeeze %dma_start3A_87 : memref<1x128xi32, #tpu.memory_space<vmem>> -> memref<128xi32, #tpu.memory_space<vmem>>
      %dma_start3A_89 = arith.constant 0 : i32
      %dma_start3A_90 = arith.constant 0 : i32
      %dma_start3A_91 = tpu.memref_slice %arg2[%dma_start3A_89, %dma_start3A_90] : memref<16384x32xf32, #tpu.memory_space<hbm>> -> memref<16384x32xf32, #tpu.memory_space<hbm>>
      tpu.enqueue_indirect_dma source(%dma_start3A_91 : memref<16384x32xf32, #tpu.memory_space<hbm>>) target(%dma_start3A_85 : memref<128x32xf32, #tpu.memory_space<vmem>>) offsets(%dma_start3A_88 : memref<128xi32, #tpu.memory_space<vmem>>) semaphore(%arg11 : memref<!tpu.dma_semaphore, #tpu.memory_space<semaphore_mem>>)
      %dma_start3A_92 = arith.constant 6 : i32
      %dma_start3A_93 = arith.constant 768 : i32
      %dma_start3A_94 = arith.constant 0 : i32
      %dma_start3A_95 = tpu.memref_slice %arg7[%dma_start3A_93, %dma_start3A_94] : memref<1024x32xf32, #tpu.memory_space<vmem>> -> memref<128x32xf32, #tpu.memory_space<vmem>>
      %dma_start3A_96 = arith.constant 0 : i32
      %dma_start3A_97 = tpu.memref_slice %arg6[%dma_start3A_92, %dma_start3A_96] : memref<8x128xi32, #tpu.memory_space<vmem>> -> memref<1x128xi32, #tpu.memory_space<vmem>>
      %dma_start3A_98 = tpu.memref_squeeze %dma_start3A_97 : memref<1x128xi32, #tpu.memory_space<vmem>> -> memref<128xi32, #tpu.memory_space<vmem>>
      %dma_start3A_99 = arith.constant 0 : i32
      %dma_start3A_100 = arith.constant 0 : i32
      %dma_start3A_101 = tpu.memref_slice %arg2[%dma_start3A_99, %dma_start3A_100] : memref<16384x32xf32, #tpu.memory_space<hbm>> -> memref<16384x32xf32, #tpu.memory_space<hbm>>
      tpu.enqueue_indirect_dma source(%dma_start3A_101 : memref<16384x32xf32, #tpu.memory_space<hbm>>) target(%dma_start3A_95 : memref<128x32xf32, #tpu.memory_space<vmem>>) offsets(%dma_start3A_98 : memref<128xi32, #tpu.memory_space<vmem>>) semaphore(%arg11 : memref<!tpu.dma_semaphore, #tpu.memory_space<semaphore_mem>>)
      %dma_start3A_102 = arith.constant 7 : i32
      %dma_start3A_103 = arith.constant 896 : i32
      %dma_start3A_104 = arith.constant 0 : i32
      %dma_start3A_105 = tpu.memref_slice %arg7[%dma_start3A_103, %dma_start3A_104] : memref<1024x32xf32, #tpu.memory_space<vmem>> -> memref<128x32xf32, #tpu.memory_space<vmem>>
      %dma_start3A_106 = arith.constant 0 : i32
      %dma_start3A_107 = tpu.memref_slice %arg6[%dma_start3A_102, %dma_start3A_106] : memref<8x128xi32, #tpu.memory_space<vmem>> -> memref<1x128xi32, #tpu.memory_space<vmem>>
      %dma_start3A_108 = tpu.memref_squeeze %dma_start3A_107 : memref<1x128xi32, #tpu.memory_space<vmem>> -> memref<128xi32, #tpu.memory_space<vmem>>
      %dma_start3A_109 = arith.constant 0 : i32
      %dma_start3A_110 = arith.constant 0 : i32
      %dma_start3A_111 = tpu.memref_slice %arg2[%dma_start3A_109, %dma_start3A_110] : memref<16384x32xf32, #tpu.memory_space<hbm>> -> memref<16384x32xf32, #tpu.memory_space<hbm>>
      tpu.enqueue_indirect_dma source(%dma_start3A_111 : memref<16384x32xf32, #tpu.memory_space<hbm>>) target(%dma_start3A_105 : memref<128x32xf32, #tpu.memory_space<vmem>>) offsets(%dma_start3A_108 : memref<128xi32, #tpu.memory_space<vmem>>) semaphore(%arg11 : memref<!tpu.dma_semaphore, #tpu.memory_space<semaphore_mem>>)
      %dma_wait3A = arith.constant 0 : i32
      %dma_wait3A_112 = arith.constant 0 : i32
      %dma_wait3A_113 = arith.constant 0 : i32
      %dma_wait3A_114 = tpu.memref_slice %arg7[%dma_wait3A_112, %dma_wait3A_113] : memref<1024x32xf32, #tpu.memory_space<vmem>> -> memref<128x32xf32, #tpu.memory_space<vmem>>
      %dma_wait3A_115 = arith.constant 0 : i32
      %dma_wait3A_116 = tpu.memref_slice %arg6[%dma_wait3A, %dma_wait3A_115] : memref<8x128xi32, #tpu.memory_space<vmem>> -> memref<1x128xi32, #tpu.memory_space<vmem>>
      %dma_wait3A_117 = tpu.memref_squeeze %dma_wait3A_116 : memref<1x128xi32, #tpu.memory_space<vmem>> -> memref<128xi32, #tpu.memory_space<vmem>>
      %dma_wait3A_118 = arith.constant 0 : i32
      %dma_wait3A_119 = arith.constant 0 : i32
      %dma_wait3A_120 = tpu.memref_slice %arg2[%dma_wait3A_118, %dma_wait3A_119] : memref<16384x32xf32, #tpu.memory_space<hbm>> -> memref<16384x32xf32, #tpu.memory_space<hbm>>
      tpu.wait_indirect_dma semaphore(%arg11 : memref<!tpu.dma_semaphore, #tpu.memory_space<semaphore_mem>>) src(%dma_wait3A_120 : memref<16384x32xf32, #tpu.memory_space<hbm>>) dst(%dma_wait3A_114 : memref<128x32xf32, #tpu.memory_space<vmem>>)
      %dma_wait3A_121 = arith.constant 1 : i32
      %dma_wait3A_122 = arith.constant 128 : i32
      %dma_wait3A_123 = arith.constant 0 : i32
      %dma_wait3A_124 = tpu.memref_slice %arg7[%dma_wait3A_122, %dma_wait3A_123] : memref<1024x32xf32, #tpu.memory_space<vmem>> -> memref<128x32xf32, #tpu.memory_space<vmem>>
      %dma_wait3A_125 = arith.constant 0 : i32
      %dma_wait3A_126 = tpu.memref_slice %arg6[%dma_wait3A_121, %dma_wait3A_125] : memref<8x128xi32, #tpu.memory_space<vmem>> -> memref<1x128xi32, #tpu.memory_space<vmem>>
      %dma_wait3A_127 = tpu.memref_squeeze %dma_wait3A_126 : memref<1x128xi32, #tpu.memory_space<vmem>> -> memref<128xi32, #tpu.memory_space<vmem>>
      %dma_wait3A_128 = arith.constant 0 : i32
      %dma_wait3A_129 = arith.constant 0 : i32
      %dma_wait3A_130 = tpu.memref_slice %arg2[%dma_wait3A_128, %dma_wait3A_129] : memref<16384x32xf32, #tpu.memory_space<hbm>> -> memref<16384x32xf32, #tpu.memory_space<hbm>>
      tpu.wait_indirect_dma semaphore(%arg11 : memref<!tpu.dma_semaphore, #tpu.memory_space<semaphore_mem>>) src(%dma_wait3A_130 : memref<16384x32xf32, #tpu.memory_space<hbm>>) dst(%dma_wait3A_124 : memref<128x32xf32, #tpu.memory_space<vmem>>)
      %dma_wait3A_131 = arith.constant 2 : i32
      %dma_wait3A_132 = arith.constant 256 : i32
      %dma_wait3A_133 = arith.constant 0 : i32
      %dma_wait3A_134 = tpu.memref_slice %arg7[%dma_wait3A_132, %dma_wait3A_133] : memref<1024x32xf32, #tpu.memory_space<vmem>> -> memref<128x32xf32, #tpu.memory_space<vmem>>
      %dma_wait3A_135 = arith.constant 0 : i32
      %dma_wait3A_136 = tpu.memref_slice %arg6[%dma_wait3A_131, %dma_wait3A_135] : memref<8x128xi32, #tpu.memory_space<vmem>> -> memref<1x128xi32, #tpu.memory_space<vmem>>
      %dma_wait3A_137 = tpu.memref_squeeze %dma_wait3A_136 : memref<1x128xi32, #tpu.memory_space<vmem>> -> memref<128xi32, #tpu.memory_space<vmem>>
      %dma_wait3A_138 = arith.constant 0 : i32
      %dma_wait3A_139 = arith.constant 0 : i32
      %dma_wait3A_140 = tpu.memref_slice %arg2[%dma_wait3A_138, %dma_wait3A_139] : memref<16384x32xf32, #tpu.memory_space<hbm>> -> memref<16384x32xf32, #tpu.memory_space<hbm>>
      tpu.wait_indirect_dma semaphore(%arg11 : memref<!tpu.dma_semaphore, #tpu.memory_space<semaphore_mem>>) src(%dma_wait3A_140 : memref<16384x32xf32, #tpu.memory_space<hbm>>) dst(%dma_wait3A_134 : memref<128x32xf32, #tpu.memory_space<vmem>>)
      %dma_wait3A_141 = arith.constant 3 : i32
      %dma_wait3A_142 = arith.constant 384 : i32
      %dma_wait3A_143 = arith.constant 0 : i32
      %dma_wait3A_144 = tpu.memref_slice %arg7[%dma_wait3A_142, %dma_wait3A_143] : memref<1024x32xf32, #tpu.memory_space<vmem>> -> memref<128x32xf32, #tpu.memory_space<vmem>>
      %dma_wait3A_145 = arith.constant 0 : i32
      %dma_wait3A_146 = tpu.memref_slice %arg6[%dma_wait3A_141, %dma_wait3A_145] : memref<8x128xi32, #tpu.memory_space<vmem>> -> memref<1x128xi32, #tpu.memory_space<vmem>>
      %dma_wait3A_147 = tpu.memref_squeeze %dma_wait3A_146 : memref<1x128xi32, #tpu.memory_space<vmem>> -> memref<128xi32, #tpu.memory_space<vmem>>
      %dma_wait3A_148 = arith.constant 0 : i32
      %dma_wait3A_149 = arith.constant 0 : i32
      %dma_wait3A_150 = tpu.memref_slice %arg2[%dma_wait3A_148, %dma_wait3A_149] : memref<16384x32xf32, #tpu.memory_space<hbm>> -> memref<16384x32xf32, #tpu.memory_space<hbm>>
      tpu.wait_indirect_dma semaphore(%arg11 : memref<!tpu.dma_semaphore, #tpu.memory_space<semaphore_mem>>) src(%dma_wait3A_150 : memref<16384x32xf32, #tpu.memory_space<hbm>>) dst(%dma_wait3A_144 : memref<128x32xf32, #tpu.memory_space<vmem>>)
      %dma_wait3A_151 = arith.constant 4 : i32
      %dma_wait3A_152 = arith.constant 512 : i32
      %dma_wait3A_153 = arith.constant 0 : i32
      %dma_wait3A_154 = tpu.memref_slice %arg7[%dma_wait3A_152, %dma_wait3A_153] : memref<1024x32xf32, #tpu.memory_space<vmem>> -> memref<128x32xf32, #tpu.memory_space<vmem>>
      %dma_wait3A_155 = arith.constant 0 : i32
      %dma_wait3A_156 = tpu.memref_slice %arg6[%dma_wait3A_151, %dma_wait3A_155] : memref<8x128xi32, #tpu.memory_space<vmem>> -> memref<1x128xi32, #tpu.memory_space<vmem>>
      %dma_wait3A_157 = tpu.memref_squeeze %dma_wait3A_156 : memref<1x128xi32, #tpu.memory_space<vmem>> -> memref<128xi32, #tpu.memory_space<vmem>>
      %dma_wait3A_158 = arith.constant 0 : i32
      %dma_wait3A_159 = arith.constant 0 : i32
      %dma_wait3A_160 = tpu.memref_slice %arg2[%dma_wait3A_158, %dma_wait3A_159] : memref<16384x32xf32, #tpu.memory_space<hbm>> -> memref<16384x32xf32, #tpu.memory_space<hbm>>
      tpu.wait_indirect_dma semaphore(%arg11 : memref<!tpu.dma_semaphore, #tpu.memory_space<semaphore_mem>>) src(%dma_wait3A_160 : memref<16384x32xf32, #tpu.memory_space<hbm>>) dst(%dma_wait3A_154 : memref<128x32xf32, #tpu.memory_space<vmem>>)
      %dma_wait3A_161 = arith.constant 5 : i32
      %dma_wait3A_162 = arith.constant 640 : i32
      %dma_wait3A_163 = arith.constant 0 : i32
      %dma_wait3A_164 = tpu.memref_slice %arg7[%dma_wait3A_162, %dma_wait3A_163] : memref<1024x32xf32, #tpu.memory_space<vmem>> -> memref<128x32xf32, #tpu.memory_space<vmem>>
      %dma_wait3A_165 = arith.constant 0 : i32
      %dma_wait3A_166 = tpu.memref_slice %arg6[%dma_wait3A_161, %dma_wait3A_165] : memref<8x128xi32, #tpu.memory_space<vmem>> -> memref<1x128xi32, #tpu.memory_space<vmem>>
      %dma_wait3A_167 = tpu.memref_squeeze %dma_wait3A_166 : memref<1x128xi32, #tpu.memory_space<vmem>> -> memref<128xi32, #tpu.memory_space<vmem>>
      %dma_wait3A_168 = arith.constant 0 : i32
      %dma_wait3A_169 = arith.constant 0 : i32
      %dma_wait3A_170 = tpu.memref_slice %arg2[%dma_wait3A_168, %dma_wait3A_169] : memref<16384x32xf32, #tpu.memory_space<hbm>> -> memref<16384x32xf32, #tpu.memory_space<hbm>>
      tpu.wait_indirect_dma semaphore(%arg11 : memref<!tpu.dma_semaphore, #tpu.memory_space<semaphore_mem>>) src(%dma_wait3A_170 : memref<16384x32xf32, #tpu.memory_space<hbm>>) dst(%dma_wait3A_164 : memref<128x32xf32, #tpu.memory_space<vmem>>)
      %dma_wait3A_171 = arith.constant 6 : i32
      %dma_wait3A_172 = arith.constant 768 : i32
      %dma_wait3A_173 = arith.constant 0 : i32
      %dma_wait3A_174 = tpu.memref_slice %arg7[%dma_wait3A_172, %dma_wait3A_173] : memref<1024x32xf32, #tpu.memory_space<vmem>> -> memref<128x32xf32, #tpu.memory_space<vmem>>
      %dma_wait3A_175 = arith.constant 0 : i32
      %dma_wait3A_176 = tpu.memref_slice %arg6[%dma_wait3A_171, %dma_wait3A_175] : memref<8x128xi32, #tpu.memory_space<vmem>> -> memref<1x128xi32, #tpu.memory_space<vmem>>
      %dma_wait3A_177 = tpu.memref_squeeze %dma_wait3A_176 : memref<1x128xi32, #tpu.memory_space<vmem>> -> memref<128xi32, #tpu.memory_space<vmem>>
      %dma_wait3A_178 = arith.constant 0 : i32
      %dma_wait3A_179 = arith.constant 0 : i32
      %dma_wait3A_180 = tpu.memref_slice %arg2[%dma_wait3A_178, %dma_wait3A_179] : memref<16384x32xf32, #tpu.memory_space<hbm>> -> memref<16384x32xf32, #tpu.memory_space<hbm>>
      tpu.wait_indirect_dma semaphore(%arg11 : memref<!tpu.dma_semaphore, #tpu.memory_space<semaphore_mem>>) src(%dma_wait3A_180 : memref<16384x32xf32, #tpu.memory_space<hbm>>) dst(%dma_wait3A_174 : memref<128x32xf32, #tpu.memory_space<vmem>>)
      %dma_wait3A_181 = arith.constant 7 : i32
      %dma_wait3A_182 = arith.constant 896 : i32
      %dma_wait3A_183 = arith.constant 0 : i32
      %dma_wait3A_184 = tpu.memref_slice %arg7[%dma_wait3A_182, %dma_wait3A_183] : memref<1024x32xf32, #tpu.memory_space<vmem>> -> memref<128x32xf32, #tpu.memory_space<vmem>>
      %dma_wait3A_185 = arith.constant 0 : i32
      %dma_wait3A_186 = tpu.memref_slice %arg6[%dma_wait3A_181, %dma_wait3A_185] : memref<8x128xi32, #tpu.memory_space<vmem>> -> memref<1x128xi32, #tpu.memory_space<vmem>>
      %dma_wait3A_187 = tpu.memref_squeeze %dma_wait3A_186 : memref<1x128xi32, #tpu.memory_space<vmem>> -> memref<128xi32, #tpu.memory_space<vmem>>
      %dma_wait3A_188 = arith.constant 0 : i32
      %dma_wait3A_189 = arith.constant 0 : i32
      %dma_wait3A_190 = tpu.memref_slice %arg2[%dma_wait3A_188, %dma_wait3A_189] : memref<16384x32xf32, #tpu.memory_space<hbm>> -> memref<16384x32xf32, #tpu.memory_space<hbm>>
      tpu.wait_indirect_dma semaphore(%arg11 : memref<!tpu.dma_semaphore, #tpu.memory_space<semaphore_mem>>) src(%dma_wait3A_190 : memref<16384x32xf32, #tpu.memory_space<hbm>>) dst(%dma_wait3A_184 : memref<128x32xf32, #tpu.memory_space<vmem>>)
      %iota3A = tpu.iota {dimensions = array<i32: 0>} : vector<16xi32>
      %broadcast_in_dim3A = arith.constant 0.000000e+00 : f32
      %broadcast_in_dim3A_191 = vector.broadcast %broadcast_in_dim3A : f32 to vector<16xf32>
      %scan3A_192 = arith.constant 0 : i32
      %scan3A_193 = arith.constant 64 : i32
      %scan3A_194 = arith.addi %scan3A_192, %scan3A_193 : i32
      %scan3A_195 = arith.constant 1 : i32
      %scan3A_196 = scf.for %scan3A_198 = %scan3A_192 to %scan3A_194 step %scan3A_195 iter_args(%scan3A_199 = %broadcast_in_dim3A_191) -> (vector<16xf32>)  : i32 {
        %get3A = arith.index_cast %scan3A_198 : i32 to index
        %get3A_200 = arith.constant 0 : index
        %get3A_201 = tpu.vector_load %arg8[%get3A, %get3A_200] {strides = array<i32>} : memref<64x32xf32, #tpu.memory_space<vmem>>, vector<1x16xf32>,
        %get3A_202 = vector.shape_cast %get3A_201 : vector<1x16xf32> to vector<16xf32>
        %get3A_203 = arith.index_cast %scan3A_198 : i32 to index
        %get3A_204 = arith.constant 16 : index
        %get3A_205 = tpu.vector_load %arg8[%get3A_203, %get3A_204] {strides = array<i32>} : memref<64x32xf32, #tpu.memory_space<vmem>>, vector<1x16xf32>,
        %get3A_206 = vector.shape_cast %get3A_205 : vector<1x16xf32> to vector<16xf32>
        %mul3A_207 = arith.constant 16 : i32
        %mul3A_208 = arith.muli %scan3A_198, %mul3A_207 : i32
        %get3A_209 = arith.index_cast %mul3A_208 : i32 to index
        %get3A_210 = tpu.vector_load %arg9[%get3A_209] {strides = array<i32>} : memref<1024xf32, #tpu.memory_space<vmem>>, vector<16xf32>,
        %get3A_211 = vector.shape_cast %get3A_210 : vector<16xf32> to vector<16xf32>
        %broadcast_in_dim3A_212 = arith.constant 0.000000e+00 : f32
        %broadcast_in_dim3A_213 = vector.broadcast %broadcast_in_dim3A_212 : f32 to vector<16xf32>
        %mul3A_214 = arith.constant 16 : i32
        %mul3A_215 = arith.muli %scan3A_198, %mul3A_214 : i32
        %add3A_216 = arith.constant 0 : i32
        %add3A_217 = arith.addi %mul3A_215, %add3A_216 : i32
        %get3A_218 = arith.index_cast %add3A_217 : i32 to index
        %get3A_219 = arith.constant 0 : index
        %get3A_220 = tpu.vector_load %arg7[%get3A_218, %get3A_219] {strides = array<i32>} : memref<1024x32xf32, #tpu.memory_space<vmem>>, vector<1x16xf32>,
        %get3A_221 = vector.shape_cast %get3A_220 : vector<1x16xf32> to vector<16xf32>
        %sub3A_222 = arith.subf %get3A_221, %get3A_202 : vector<16xf32>
        %abs3A = math.absf %sub3A_222 : vector<16xf32>
        %get3A_223 = arith.index_cast %add3A_217 : i32 to index
        %get3A_224 = arith.constant 16 : index
        %get3A_225 = tpu.vector_load %arg7[%get3A_223, %get3A_224] {strides = array<i32>} : memref<1024x32xf32, #tpu.memory_space<vmem>>, vector<1x16xf32>,
        %get3A_226 = vector.shape_cast %get3A_225 : vector<1x16xf32> to vector<16xf32>
        %sub3A_227 = arith.subf %get3A_226, %get3A_206 : vector<16xf32>
        %abs3A_228 = math.absf %sub3A_227 : vector<16xf32>
        %add3A_229 = arith.addf %abs3A, %abs3A_228 : vector<16xf32>
        %slice3A = vector.extract_strided_slice %get3A_211 {offsets = [0], sizes = [1], strides = [1]} : vector<16xf32> to vector<1xf32>
        %squeeze3A = vector.extract %slice3A[0] : f32 from vector<1xf32>
        %mul3A_230 = vector.broadcast %squeeze3A : f32 to vector<16xf32>
        %mul3A_231 = arith.mulf %add3A_229, %mul3A_230 : vector<16xf32>
        %add3A_232 = arith.addf %broadcast_in_dim3A_213, %mul3A_231 : vector<16xf32>
        %mul3A_233 = arith.constant 16 : i32
        %mul3A_234 = arith.muli %scan3A_198, %mul3A_233 : i32
        %add3A_235 = arith.constant 1 : i32
        %add3A_236 = arith.addi %mul3A_234, %add3A_235 : i32
        %get3A_237 = arith.index_cast %add3A_236 : i32 to index
        %get3A_238 = arith.constant 0 : index
        %get3A_239 = tpu.vector_load %arg7[%get3A_237, %get3A_238] {strides = array<i32>} : memref<1024x32xf32, #tpu.memory_space<vmem>>, vector<1x16xf32>,
        %get3A_240 = vector.shape_cast %get3A_239 : vector<1x16xf32> to vector<16xf32>
        %sub3A_241 = arith.subf %get3A_240, %get3A_202 : vector<16xf32>
        %abs3A_242 = math.absf %sub3A_241 : vector<16xf32>
        %get3A_243 = arith.index_cast %add3A_236 : i32 to index
        %get3A_244 = arith.constant 16 : index
        %get3A_245 = tpu.vector_load %arg7[%get3A_243, %get3A_244] {strides = array<i32>} : memref<1024x32xf32, #tpu.memory_space<vmem>>, vector<1x16xf32>,
        %get3A_246 = vector.shape_cast %get3A_245 : vector<1x16xf32> to vector<16xf32>
        %sub3A_247 = arith.subf %get3A_246, %get3A_206 : vector<16xf32>
        %abs3A_248 = math.absf %sub3A_247 : vector<16xf32>
        %add3A_249 = arith.addf %abs3A_242, %abs3A_248 : vector<16xf32>
        %slice3A_250 = vector.extract_strided_slice %get3A_211 {offsets = [1], sizes = [1], strides = [1]} : vector<16xf32> to vector<1xf32>
        %squeeze3A_251 = vector.extract %slice3A_250[0] : f32 from vector<1xf32>
        %mul3A_252 = vector.broadcast %squeeze3A_251 : f32 to vector<16xf32>
        %mul3A_253 = arith.mulf %add3A_249, %mul3A_252 : vector<16xf32>
        %add3A_254 = arith.addf %add3A_232, %mul3A_253 : vector<16xf32>
        %mul3A_255 = arith.constant 16 : i32
        %mul3A_256 = arith.muli %scan3A_198, %mul3A_255 : i32
        %add3A_257 = arith.constant 2 : i32
        %add3A_258 = arith.addi %mul3A_256, %add3A_257 : i32
        %get3A_259 = arith.index_cast %add3A_258 : i32 to index
        %get3A_260 = arith.constant 0 : index
        %get3A_261 = tpu.vector_load %arg7[%get3A_259, %get3A_260] {strides = array<i32>} : memref<1024x32xf32, #tpu.memory_space<vmem>>, vector<1x16xf32>,
        %get3A_262 = vector.shape_cast %get3A_261 : vector<1x16xf32> to vector<16xf32>
        %sub3A_263 = arith.subf %get3A_262, %get3A_202 : vector<16xf32>
        %abs3A_264 = math.absf %sub3A_263 : vector<16xf32>
        %get3A_265 = arith.index_cast %add3A_258 : i32 to index
        %get3A_266 = arith.constant 16 : index
        %get3A_267 = tpu.vector_load %arg7[%get3A_265, %get3A_266] {strides = array<i32>} : memref<1024x32xf32, #tpu.memory_space<vmem>>, vector<1x16xf32>,
        %get3A_268 = vector.shape_cast %get3A_267 : vector<1x16xf32> to vector<16xf32>
        %sub3A_269 = arith.subf %get3A_268, %get3A_206 : vector<16xf32>
        %abs3A_270 = math.absf %sub3A_269 : vector<16xf32>
        %add3A_271 = arith.addf %abs3A_264, %abs3A_270 : vector<16xf32>
        %slice3A_272 = vector.extract_strided_slice %get3A_211 {offsets = [2], sizes = [1], strides = [1]} : vector<16xf32> to vector<1xf32>
        %squeeze3A_273 = vector.extract %slice3A_272[0] : f32 from vector<1xf32>
        %mul3A_274 = vector.broadcast %squeeze3A_273 : f32 to vector<16xf32>
        %mul3A_275 = arith.mulf %add3A_271, %mul3A_274 : vector<16xf32>
        %add3A_276 = arith.addf %add3A_254, %mul3A_275 : vector<16xf32>
        %mul3A_277 = arith.constant 16 : i32
        %mul3A_278 = arith.muli %scan3A_198, %mul3A_277 : i32
        %add3A_279 = arith.constant 3 : i32
        %add3A_280 = arith.addi %mul3A_278, %add3A_279 : i32
        %get3A_281 = arith.index_cast %add3A_280 : i32 to index
        %get3A_282 = arith.constant 0 : index
        %get3A_283 = tpu.vector_load %arg7[%get3A_281, %get3A_282] {strides = array<i32>} : memref<1024x32xf32, #tpu.memory_space<vmem>>, vector<1x16xf32>,
        %get3A_284 = vector.shape_cast %get3A_283 : vector<1x16xf32> to vector<16xf32>
        %sub3A_285 = arith.subf %get3A_284, %get3A_202 : vector<16xf32>
        %abs3A_286 = math.absf %sub3A_285 : vector<16xf32>
        %get3A_287 = arith.index_cast %add3A_280 : i32 to index
        %get3A_288 = arith.constant 16 : index
        %get3A_289 = tpu.vector_load %arg7[%get3A_287, %get3A_288] {strides = array<i32>} : memref<1024x32xf32, #tpu.memory_space<vmem>>, vector<1x16xf32>,
        %get3A_290 = vector.shape_cast %get3A_289 : vector<1x16xf32> to vector<16xf32>
        %sub3A_291 = arith.subf %get3A_290, %get3A_206 : vector<16xf32>
        %abs3A_292 = math.absf %sub3A_291 : vector<16xf32>
        %add3A_293 = arith.addf %abs3A_286, %abs3A_292 : vector<16xf32>
        %slice3A_294 = vector.extract_strided_slice %get3A_211 {offsets = [3], sizes = [1], strides = [1]} : vector<16xf32> to vector<1xf32>
        %squeeze3A_295 = vector.extract %slice3A_294[0] : f32 from vector<1xf32>
        %mul3A_296 = vector.broadcast %squeeze3A_295 : f32 to vector<16xf32>
        %mul3A_297 = arith.mulf %add3A_293, %mul3A_296 : vector<16xf32>
        %add3A_298 = arith.addf %add3A_276, %mul3A_297 : vector<16xf32>
        %mul3A_299 = arith.constant 16 : i32
        %mul3A_300 = arith.muli %scan3A_198, %mul3A_299 : i32
        %add3A_301 = arith.constant 4 : i32
        %add3A_302 = arith.addi %mul3A_300, %add3A_301 : i32
        %get3A_303 = arith.index_cast %add3A_302 : i32 to index
        %get3A_304 = arith.constant 0 : index
        %get3A_305 = tpu.vector_load %arg7[%get3A_303, %get3A_304] {strides = array<i32>} : memref<1024x32xf32, #tpu.memory_space<vmem>>, vector<1x16xf32>,
        %get3A_306 = vector.shape_cast %get3A_305 : vector<1x16xf32> to vector<16xf32>
        %sub3A_307 = arith.subf %get3A_306, %get3A_202 : vector<16xf32>
        %abs3A_308 = math.absf %sub3A_307 : vector<16xf32>
        %get3A_309 = arith.index_cast %add3A_302 : i32 to index
        %get3A_310 = arith.constant 16 : index
        %get3A_311 = tpu.vector_load %arg7[%get3A_309, %get3A_310] {strides = array<i32>} : memref<1024x32xf32, #tpu.memory_space<vmem>>, vector<1x16xf32>,
        %get3A_312 = vector.shape_cast %get3A_311 : vector<1x16xf32> to vector<16xf32>
        %sub3A_313 = arith.subf %get3A_312, %get3A_206 : vector<16xf32>
        %abs3A_314 = math.absf %sub3A_313 : vector<16xf32>
        %add3A_315 = arith.addf %abs3A_308, %abs3A_314 : vector<16xf32>
        %slice3A_316 = vector.extract_strided_slice %get3A_211 {offsets = [4], sizes = [1], strides = [1]} : vector<16xf32> to vector<1xf32>
        %squeeze3A_317 = vector.extract %slice3A_316[0] : f32 from vector<1xf32>
        %mul3A_318 = vector.broadcast %squeeze3A_317 : f32 to vector<16xf32>
        %mul3A_319 = arith.mulf %add3A_315, %mul3A_318 : vector<16xf32>
        %add3A_320 = arith.addf %add3A_298, %mul3A_319 : vector<16xf32>
        %mul3A_321 = arith.constant 16 : i32
        %mul3A_322 = arith.muli %scan3A_198, %mul3A_321 : i32
        %add3A_323 = arith.constant 5 : i32
        %add3A_324 = arith.addi %mul3A_322, %add3A_323 : i32
        %get3A_325 = arith.index_cast %add3A_324 : i32 to index
        %get3A_326 = arith.constant 0 : index
        %get3A_327 = tpu.vector_load %arg7[%get3A_325, %get3A_326] {strides = array<i32>} : memref<1024x32xf32, #tpu.memory_space<vmem>>, vector<1x16xf32>,
        %get3A_328 = vector.shape_cast %get3A_327 : vector<1x16xf32> to vector<16xf32>
        %sub3A_329 = arith.subf %get3A_328, %get3A_202 : vector<16xf32>
        %abs3A_330 = math.absf %sub3A_329 : vector<16xf32>
        %get3A_331 = arith.index_cast %add3A_324 : i32 to index
        %get3A_332 = arith.constant 16 : index
        %get3A_333 = tpu.vector_load %arg7[%get3A_331, %get3A_332] {strides = array<i32>} : memref<1024x32xf32, #tpu.memory_space<vmem>>, vector<1x16xf32>,
        %get3A_334 = vector.shape_cast %get3A_333 : vector<1x16xf32> to vector<16xf32>
        %sub3A_335 = arith.subf %get3A_334, %get3A_206 : vector<16xf32>
        %abs3A_336 = math.absf %sub3A_335 : vector<16xf32>
        %add3A_337 = arith.addf %abs3A_330, %abs3A_336 : vector<16xf32>
        %slice3A_338 = vector.extract_strided_slice %get3A_211 {offsets = [5], sizes = [1], strides = [1]} : vector<16xf32> to vector<1xf32>
        %squeeze3A_339 = vector.extract %slice3A_338[0] : f32 from vector<1xf32>
        %mul3A_340 = vector.broadcast %squeeze3A_339 : f32 to vector<16xf32>
        %mul3A_341 = arith.mulf %add3A_337, %mul3A_340 : vector<16xf32>
        %add3A_342 = arith.addf %add3A_320, %mul3A_341 : vector<16xf32>
        %mul3A_343 = arith.constant 16 : i32
        %mul3A_344 = arith.muli %scan3A_198, %mul3A_343 : i32
        %add3A_345 = arith.constant 6 : i32
        %add3A_346 = arith.addi %mul3A_344, %add3A_345 : i32
        %get3A_347 = arith.index_cast %add3A_346 : i32 to index
        %get3A_348 = arith.constant 0 : index
        %get3A_349 = tpu.vector_load %arg7[%get3A_347, %get3A_348] {strides = array<i32>} : memref<1024x32xf32, #tpu.memory_space<vmem>>, vector<1x16xf32>,
        %get3A_350 = vector.shape_cast %get3A_349 : vector<1x16xf32> to vector<16xf32>
        %sub3A_351 = arith.subf %get3A_350, %get3A_202 : vector<16xf32>
        %abs3A_352 = math.absf %sub3A_351 : vector<16xf32>
        %get3A_353 = arith.index_cast %add3A_346 : i32 to index
        %get3A_354 = arith.constant 16 : index
        %get3A_355 = tpu.vector_load %arg7[%get3A_353, %get3A_354] {strides = array<i32>} : memref<1024x32xf32, #tpu.memory_space<vmem>>, vector<1x16xf32>,
        %get3A_356 = vector.shape_cast %get3A_355 : vector<1x16xf32> to vector<16xf32>
        %sub3A_357 = arith.subf %get3A_356, %get3A_206 : vector<16xf32>
        %abs3A_358 = math.absf %sub3A_357 : vector<16xf32>
        %add3A_359 = arith.addf %abs3A_352, %abs3A_358 : vector<16xf32>
        %slice3A_360 = vector.extract_strided_slice %get3A_211 {offsets = [6], sizes = [1], strides = [1]} : vector<16xf32> to vector<1xf32>
        %squeeze3A_361 = vector.extract %slice3A_360[0] : f32 from vector<1xf32>
        %mul3A_362 = vector.broadcast %squeeze3A_361 : f32 to vector<16xf32>
        %mul3A_363 = arith.mulf %add3A_359, %mul3A_362 : vector<16xf32>
        %add3A_364 = arith.addf %add3A_342, %mul3A_363 : vector<16xf32>
        %mul3A_365 = arith.constant 16 : i32
        %mul3A_366 = arith.muli %scan3A_198, %mul3A_365 : i32
        %add3A_367 = arith.constant 7 : i32
        %add3A_368 = arith.addi %mul3A_366, %add3A_367 : i32
        %get3A_369 = arith.index_cast %add3A_368 : i32 to index
        %get3A_370 = arith.constant 0 : index
        %get3A_371 = tpu.vector_load %arg7[%get3A_369, %get3A_370] {strides = array<i32>} : memref<1024x32xf32, #tpu.memory_space<vmem>>, vector<1x16xf32>,
        %get3A_372 = vector.shape_cast %get3A_371 : vector<1x16xf32> to vector<16xf32>
        %sub3A_373 = arith.subf %get3A_372, %get3A_202 : vector<16xf32>
        %abs3A_374 = math.absf %sub3A_373 : vector<16xf32>
        %get3A_375 = arith.index_cast %add3A_368 : i32 to index
        %get3A_376 = arith.constant 16 : index
        %get3A_377 = tpu.vector_load %arg7[%get3A_375, %get3A_376] {strides = array<i32>} : memref<1024x32xf32, #tpu.memory_space<vmem>>, vector<1x16xf32>,
        %get3A_378 = vector.shape_cast %get3A_377 : vector<1x16xf32> to vector<16xf32>
        %sub3A_379 = arith.subf %get3A_378, %get3A_206 : vector<16xf32>
        %abs3A_380 = math.absf %sub3A_379 : vector<16xf32>
        %add3A_381 = arith.addf %abs3A_374, %abs3A_380 : vector<16xf32>
        %slice3A_382 = vector.extract_strided_slice %get3A_211 {offsets = [7], sizes = [1], strides = [1]} : vector<16xf32> to vector<1xf32>
        %squeeze3A_383 = vector.extract %slice3A_382[0] : f32 from vector<1xf32>
        %mul3A_384 = vector.broadcast %squeeze3A_383 : f32 to vector<16xf32>
        %mul3A_385 = arith.mulf %add3A_381, %mul3A_384 : vector<16xf32>
        %add3A_386 = arith.addf %add3A_364, %mul3A_385 : vector<16xf32>
        %mul3A_387 = arith.constant 16 : i32
        %mul3A_388 = arith.muli %scan3A_198, %mul3A_387 : i32
        %add3A_389 = arith.constant 8 : i32
        %add3A_390 = arith.addi %mul3A_388, %add3A_389 : i32
        %get3A_391 = arith.index_cast %add3A_390 : i32 to index
        %get3A_392 = arith.constant 0 : index
        %get3A_393 = tpu.vector_load %arg7[%get3A_391, %get3A_392] {strides = array<i32>} : memref<1024x32xf32, #tpu.memory_space<vmem>>, vector<1x16xf32>,
        %get3A_394 = vector.shape_cast %get3A_393 : vector<1x16xf32> to vector<16xf32>
        %sub3A_395 = arith.subf %get3A_394, %get3A_202 : vector<16xf32>
        %abs3A_396 = math.absf %sub3A_395 : vector<16xf32>
        %get3A_397 = arith.index_cast %add3A_390 : i32 to index
        %get3A_398 = arith.constant 16 : index
        %get3A_399 = tpu.vector_load %arg7[%get3A_397, %get3A_398] {strides = array<i32>} : memref<1024x32xf32, #tpu.memory_space<vmem>>, vector<1x16xf32>,
        %get3A_400 = vector.shape_cast %get3A_399 : vector<1x16xf32> to vector<16xf32>
        %sub3A_401 = arith.subf %get3A_400, %get3A_206 : vector<16xf32>
        %abs3A_402 = math.absf %sub3A_401 : vector<16xf32>
        %add3A_403 = arith.addf %abs3A_396, %abs3A_402 : vector<16xf32>
        %slice3A_404 = vector.extract_strided_slice %get3A_211 {offsets = [8], sizes = [1], strides = [1]} : vector<16xf32> to vector<1xf32>
        %squeeze3A_405 = vector.extract %slice3A_404[0] : f32 from vector<1xf32>
        %mul3A_406 = vector.broadcast %squeeze3A_405 : f32 to vector<16xf32>
        %mul3A_407 = arith.mulf %add3A_403, %mul3A_406 : vector<16xf32>
        %add3A_408 = arith.addf %add3A_386, %mul3A_407 : vector<16xf32>
        %mul3A_409 = arith.constant 16 : i32
        %mul3A_410 = arith.muli %scan3A_198, %mul3A_409 : i32
        %add3A_411 = arith.constant 9 : i32
        %add3A_412 = arith.addi %mul3A_410, %add3A_411 : i32
        %get3A_413 = arith.index_cast %add3A_412 : i32 to index
        %get3A_414 = arith.constant 0 : index
        %get3A_415 = tpu.vector_load %arg7[%get3A_413, %get3A_414] {strides = array<i32>} : memref<1024x32xf32, #tpu.memory_space<vmem>>, vector<1x16xf32>,
        %get3A_416 = vector.shape_cast %get3A_415 : vector<1x16xf32> to vector<16xf32>
        %sub3A_417 = arith.subf %get3A_416, %get3A_202 : vector<16xf32>
        %abs3A_418 = math.absf %sub3A_417 : vector<16xf32>
        %get3A_419 = arith.index_cast %add3A_412 : i32 to index
        %get3A_420 = arith.constant 16 : index
        %get3A_421 = tpu.vector_load %arg7[%get3A_419, %get3A_420] {strides = array<i32>} : memref<1024x32xf32, #tpu.memory_space<vmem>>, vector<1x16xf32>,
        %get3A_422 = vector.shape_cast %get3A_421 : vector<1x16xf32> to vector<16xf32>
        %sub3A_423 = arith.subf %get3A_422, %get3A_206 : vector<16xf32>
        %abs3A_424 = math.absf %sub3A_423 : vector<16xf32>
        %add3A_425 = arith.addf %abs3A_418, %abs3A_424 : vector<16xf32>
        %slice3A_426 = vector.extract_strided_slice %get3A_211 {offsets = [9], sizes = [1], strides = [1]} : vector<16xf32> to vector<1xf32>
        %squeeze3A_427 = vector.extract %slice3A_426[0] : f32 from vector<1xf32>
        %mul3A_428 = vector.broadcast %squeeze3A_427 : f32 to vector<16xf32>
        %mul3A_429 = arith.mulf %add3A_425, %mul3A_428 : vector<16xf32>
        %add3A_430 = arith.addf %add3A_408, %mul3A_429 : vector<16xf32>
        %mul3A_431 = arith.constant 16 : i32
        %mul3A_432 = arith.muli %scan3A_198, %mul3A_431 : i32
        %add3A_433 = arith.constant 10 : i32
        %add3A_434 = arith.addi %mul3A_432, %add3A_433 : i32
        %get3A_435 = arith.index_cast %add3A_434 : i32 to index
        %get3A_436 = arith.constant 0 : index
        %get3A_437 = tpu.vector_load %arg7[%get3A_435, %get3A_436] {strides = array<i32>} : memref<1024x32xf32, #tpu.memory_space<vmem>>, vector<1x16xf32>,
        %get3A_438 = vector.shape_cast %get3A_437 : vector<1x16xf32> to vector<16xf32>
        %sub3A_439 = arith.subf %get3A_438, %get3A_202 : vector<16xf32>
        %abs3A_440 = math.absf %sub3A_439 : vector<16xf32>
        %get3A_441 = arith.index_cast %add3A_434 : i32 to index
        %get3A_442 = arith.constant 16 : index
        %get3A_443 = tpu.vector_load %arg7[%get3A_441, %get3A_442] {strides = array<i32>} : memref<1024x32xf32, #tpu.memory_space<vmem>>, vector<1x16xf32>,
        %get3A_444 = vector.shape_cast %get3A_443 : vector<1x16xf32> to vector<16xf32>
        %sub3A_445 = arith.subf %get3A_444, %get3A_206 : vector<16xf32>
        %abs3A_446 = math.absf %sub3A_445 : vector<16xf32>
        %add3A_447 = arith.addf %abs3A_440, %abs3A_446 : vector<16xf32>
        %slice3A_448 = vector.extract_strided_slice %get3A_211 {offsets = [10], sizes = [1], strides = [1]} : vector<16xf32> to vector<1xf32>
        %squeeze3A_449 = vector.extract %slice3A_448[0] : f32 from vector<1xf32>
        %mul3A_450 = vector.broadcast %squeeze3A_449 : f32 to vector<16xf32>
        %mul3A_451 = arith.mulf %add3A_447, %mul3A_450 : vector<16xf32>
        %add3A_452 = arith.addf %add3A_430, %mul3A_451 : vector<16xf32>
        %mul3A_453 = arith.constant 16 : i32
        %mul3A_454 = arith.muli %scan3A_198, %mul3A_453 : i32
        %add3A_455 = arith.constant 11 : i32
        %add3A_456 = arith.addi %mul3A_454, %add3A_455 : i32
        %get3A_457 = arith.index_cast %add3A_456 : i32 to index
        %get3A_458 = arith.constant 0 : index
        %get3A_459 = tpu.vector_load %arg7[%get3A_457, %get3A_458] {strides = array<i32>} : memref<1024x32xf32, #tpu.memory_space<vmem>>, vector<1x16xf32>,
        %get3A_460 = vector.shape_cast %get3A_459 : vector<1x16xf32> to vector<16xf32>
        %sub3A_461 = arith.subf %get3A_460, %get3A_202 : vector<16xf32>
        %abs3A_462 = math.absf %sub3A_461 : vector<16xf32>
        %get3A_463 = arith.index_cast %add3A_456 : i32 to index
        %get3A_464 = arith.constant 16 : index
        %get3A_465 = tpu.vector_load %arg7[%get3A_463, %get3A_464] {strides = array<i32>} : memref<1024x32xf32, #tpu.memory_space<vmem>>, vector<1x16xf32>,
        %get3A_466 = vector.shape_cast %get3A_465 : vector<1x16xf32> to vector<16xf32>
        %sub3A_467 = arith.subf %get3A_466, %get3A_206 : vector<16xf32>
        %abs3A_468 = math.absf %sub3A_467 : vector<16xf32>
        %add3A_469 = arith.addf %abs3A_462, %abs3A_468 : vector<16xf32>
        %slice3A_470 = vector.extract_strided_slice %get3A_211 {offsets = [11], sizes = [1], strides = [1]} : vector<16xf32> to vector<1xf32>
        %squeeze3A_471 = vector.extract %slice3A_470[0] : f32 from vector<1xf32>
        %mul3A_472 = vector.broadcast %squeeze3A_471 : f32 to vector<16xf32>
        %mul3A_473 = arith.mulf %add3A_469, %mul3A_472 : vector<16xf32>
        %add3A_474 = arith.addf %add3A_452, %mul3A_473 : vector<16xf32>
        %mul3A_475 = arith.constant 16 : i32
        %mul3A_476 = arith.muli %scan3A_198, %mul3A_475 : i32
        %add3A_477 = arith.constant 12 : i32
        %add3A_478 = arith.addi %mul3A_476, %add3A_477 : i32
        %get3A_479 = arith.index_cast %add3A_478 : i32 to index
        %get3A_480 = arith.constant 0 : index
        %get3A_481 = tpu.vector_load %arg7[%get3A_479, %get3A_480] {strides = array<i32>} : memref<1024x32xf32, #tpu.memory_space<vmem>>, vector<1x16xf32>,
        %get3A_482 = vector.shape_cast %get3A_481 : vector<1x16xf32> to vector<16xf32>
        %sub3A_483 = arith.subf %get3A_482, %get3A_202 : vector<16xf32>
        %abs3A_484 = math.absf %sub3A_483 : vector<16xf32>
        %get3A_485 = arith.index_cast %add3A_478 : i32 to index
        %get3A_486 = arith.constant 16 : index
        %get3A_487 = tpu.vector_load %arg7[%get3A_485, %get3A_486] {strides = array<i32>} : memref<1024x32xf32, #tpu.memory_space<vmem>>, vector<1x16xf32>,
        %get3A_488 = vector.shape_cast %get3A_487 : vector<1x16xf32> to vector<16xf32>
        %sub3A_489 = arith.subf %get3A_488, %get3A_206 : vector<16xf32>
        %abs3A_490 = math.absf %sub3A_489 : vector<16xf32>
        %add3A_491 = arith.addf %abs3A_484, %abs3A_490 : vector<16xf32>
        %slice3A_492 = vector.extract_strided_slice %get3A_211 {offsets = [12], sizes = [1], strides = [1]} : vector<16xf32> to vector<1xf32>
        %squeeze3A_493 = vector.extract %slice3A_492[0] : f32 from vector<1xf32>
        %mul3A_494 = vector.broadcast %squeeze3A_493 : f32 to vector<16xf32>
        %mul3A_495 = arith.mulf %add3A_491, %mul3A_494 : vector<16xf32>
        %add3A_496 = arith.addf %add3A_474, %mul3A_495 : vector<16xf32>
        %mul3A_497 = arith.constant 16 : i32
        %mul3A_498 = arith.muli %scan3A_198, %mul3A_497 : i32
        %add3A_499 = arith.constant 13 : i32
        %add3A_500 = arith.addi %mul3A_498, %add3A_499 : i32
        %get3A_501 = arith.index_cast %add3A_500 : i32 to index
        %get3A_502 = arith.constant 0 : index
        %get3A_503 = tpu.vector_load %arg7[%get3A_501, %get3A_502] {strides = array<i32>} : memref<1024x32xf32, #tpu.memory_space<vmem>>, vector<1x16xf32>,
        %get3A_504 = vector.shape_cast %get3A_503 : vector<1x16xf32> to vector<16xf32>
        %sub3A_505 = arith.subf %get3A_504, %get3A_202 : vector<16xf32>
        %abs3A_506 = math.absf %sub3A_505 : vector<16xf32>
        %get3A_507 = arith.index_cast %add3A_500 : i32 to index
        %get3A_508 = arith.constant 16 : index
        %get3A_509 = tpu.vector_load %arg7[%get3A_507, %get3A_508] {strides = array<i32>} : memref<1024x32xf32, #tpu.memory_space<vmem>>, vector<1x16xf32>,
        %get3A_510 = vector.shape_cast %get3A_509 : vector<1x16xf32> to vector<16xf32>
        %sub3A_511 = arith.subf %get3A_510, %get3A_206 : vector<16xf32>
        %abs3A_512 = math.absf %sub3A_511 : vector<16xf32>
        %add3A_513 = arith.addf %abs3A_506, %abs3A_512 : vector<16xf32>
        %slice3A_514 = vector.extract_strided_slice %get3A_211 {offsets = [13], sizes = [1], strides = [1]} : vector<16xf32> to vector<1xf32>
        %squeeze3A_515 = vector.extract %slice3A_514[0] : f32 from vector<1xf32>
        %mul3A_516 = vector.broadcast %squeeze3A_515 : f32 to vector<16xf32>
        %mul3A_517 = arith.mulf %add3A_513, %mul3A_516 : vector<16xf32>
        %add3A_518 = arith.addf %add3A_496, %mul3A_517 : vector<16xf32>
        %mul3A_519 = arith.constant 16 : i32
        %mul3A_520 = arith.muli %scan3A_198, %mul3A_519 : i32
        %add3A_521 = arith.constant 14 : i32
        %add3A_522 = arith.addi %mul3A_520, %add3A_521 : i32
        %get3A_523 = arith.index_cast %add3A_522 : i32 to index
        %get3A_524 = arith.constant 0 : index
        %get3A_525 = tpu.vector_load %arg7[%get3A_523, %get3A_524] {strides = array<i32>} : memref<1024x32xf32, #tpu.memory_space<vmem>>, vector<1x16xf32>,
        %get3A_526 = vector.shape_cast %get3A_525 : vector<1x16xf32> to vector<16xf32>
        %sub3A_527 = arith.subf %get3A_526, %get3A_202 : vector<16xf32>
        %abs3A_528 = math.absf %sub3A_527 : vector<16xf32>
        %get3A_529 = arith.index_cast %add3A_522 : i32 to index
        %get3A_530 = arith.constant 16 : index
        %get3A_531 = tpu.vector_load %arg7[%get3A_529, %get3A_530] {strides = array<i32>} : memref<1024x32xf32, #tpu.memory_space<vmem>>, vector<1x16xf32>,
        %get3A_532 = vector.shape_cast %get3A_531 : vector<1x16xf32> to vector<16xf32>
        %sub3A_533 = arith.subf %get3A_532, %get3A_206 : vector<16xf32>
        %abs3A_534 = math.absf %sub3A_533 : vector<16xf32>
        %add3A_535 = arith.addf %abs3A_528, %abs3A_534 : vector<16xf32>
        %slice3A_536 = vector.extract_strided_slice %get3A_211 {offsets = [14], sizes = [1], strides = [1]} : vector<16xf32> to vector<1xf32>
        %squeeze3A_537 = vector.extract %slice3A_536[0] : f32 from vector<1xf32>
        %mul3A_538 = vector.broadcast %squeeze3A_537 : f32 to vector<16xf32>
        %mul3A_539 = arith.mulf %add3A_535, %mul3A_538 : vector<16xf32>
        %add3A_540 = arith.addf %add3A_518, %mul3A_539 : vector<16xf32>
        %mul3A_541 = arith.constant 16 : i32
        %mul3A_542 = arith.muli %scan3A_198, %mul3A_541 : i32
        %add3A_543 = arith.constant 15 : i32
        %add3A_544 = arith.addi %mul3A_542, %add3A_543 : i32
        %get3A_545 = arith.index_cast %add3A_544 : i32 to index
        %get3A_546 = arith.constant 0 : index
        %get3A_547 = tpu.vector_load %arg7[%get3A_545, %get3A_546] {strides = array<i32>} : memref<1024x32xf32, #tpu.memory_space<vmem>>, vector<1x16xf32>,
        %get3A_548 = vector.shape_cast %get3A_547 : vector<1x16xf32> to vector<16xf32>
        %sub3A_549 = arith.subf %get3A_548, %get3A_202 : vector<16xf32>
        %abs3A_550 = math.absf %sub3A_549 : vector<16xf32>
        %get3A_551 = arith.index_cast %add3A_544 : i32 to index
        %get3A_552 = arith.constant 16 : index
        %get3A_553 = tpu.vector_load %arg7[%get3A_551, %get3A_552] {strides = array<i32>} : memref<1024x32xf32, #tpu.memory_space<vmem>>, vector<1x16xf32>,
        %get3A_554 = vector.shape_cast %get3A_553 : vector<1x16xf32> to vector<16xf32>
        %sub3A_555 = arith.subf %get3A_554, %get3A_206 : vector<16xf32>
        %abs3A_556 = math.absf %sub3A_555 : vector<16xf32>
        %add3A_557 = arith.addf %abs3A_550, %abs3A_556 : vector<16xf32>
        %slice3A_558 = vector.extract_strided_slice %get3A_211 {offsets = [15], sizes = [1], strides = [1]} : vector<16xf32> to vector<1xf32>
        %squeeze3A_559 = vector.extract %slice3A_558[0] : f32 from vector<1xf32>
        %mul3A_560 = vector.broadcast %squeeze3A_559 : f32 to vector<16xf32>
        %mul3A_561 = arith.mulf %add3A_557, %mul3A_560 : vector<16xf32>
        %add3A_562 = arith.addf %add3A_540, %mul3A_561 : vector<16xf32>
        %xor3A = arith.constant 8 : i32
        %xor3A_563 = vector.broadcast %xor3A : i32 to vector<16xi32>
        %xor3A_564 = arith.xori %iota3A, %xor3A_563 : vector<16xi32>
        %lt3A = arith.constant 0 : i32
        %lt3A_565 = vector.broadcast %lt3A : i32 to vector<16xi32>
        %lt3A_566 = arith.cmpi slt, %xor3A_564, %lt3A_565 : vector<16xi32>
        %add3A_567 = arith.constant 16 : i32
        %add3A_568 = vector.broadcast %add3A_567 : i32 to vector<16xi32>
        %add3A_569 = arith.addi %xor3A_564, %add3A_568 : vector<16xi32>
        %select_n3A_570 = arith.select %lt3A_566, %add3A_569, %xor3A_564 : vector<16xi1>, vector<16xi32>
        %broadcast_in_dim3A_571 = vector.shape_cast %select_n3A_570 : vector<16xi32> to vector<16x1xi32>
        %gather3A = vector.shape_cast %broadcast_in_dim3A_571 : vector<16x1xi32> to vector<16xi32>
        %gather3A_572 = tpu.dynamic_gather %add3A_562[%gather3A] in [0] : vector<16xf32>, vector<16xi32> -> vector<16xf32>
        %add3A_573 = arith.addf %add3A_562, %gather3A_572 : vector<16xf32>
        %xor3A_574 = arith.constant 4 : i32
        %xor3A_575 = vector.broadcast %xor3A_574 : i32 to vector<16xi32>
        %xor3A_576 = arith.xori %iota3A, %xor3A_575 : vector<16xi32>
        %lt3A_577 = arith.constant 0 : i32
        %lt3A_578 = vector.broadcast %lt3A_577 : i32 to vector<16xi32>
        %lt3A_579 = arith.cmpi slt, %xor3A_576, %lt3A_578 : vector<16xi32>
        %add3A_580 = arith.constant 16 : i32
        %add3A_581 = vector.broadcast %add3A_580 : i32 to vector<16xi32>
        %add3A_582 = arith.addi %xor3A_576, %add3A_581 : vector<16xi32>
        %select_n3A_583 = arith.select %lt3A_579, %add3A_582, %xor3A_576 : vector<16xi1>, vector<16xi32>
        %broadcast_in_dim3A_584 = vector.shape_cast %select_n3A_583 : vector<16xi32> to vector<16x1xi32>
        %gather3A_585 = vector.shape_cast %broadcast_in_dim3A_584 : vector<16x1xi32> to vector<16xi32>
        %gather3A_586 = tpu.dynamic_gather %add3A_573[%gather3A_585] in [0] : vector<16xf32>, vector<16xi32> -> vector<16xf32>
        %add3A_587 = arith.addf %add3A_573, %gather3A_586 : vector<16xf32>
        %xor3A_588 = arith.constant 2 : i32
        %xor3A_589 = vector.broadcast %xor3A_588 : i32 to vector<16xi32>
        %xor3A_590 = arith.xori %iota3A, %xor3A_589 : vector<16xi32>
        %lt3A_591 = arith.constant 0 : i32
        %lt3A_592 = vector.broadcast %lt3A_591 : i32 to vector<16xi32>
        %lt3A_593 = arith.cmpi slt, %xor3A_590, %lt3A_592 : vector<16xi32>
        %add3A_594 = arith.constant 16 : i32
        %add3A_595 = vector.broadcast %add3A_594 : i32 to vector<16xi32>
        %add3A_596 = arith.addi %xor3A_590, %add3A_595 : vector<16xi32>
        %select_n3A_597 = arith.select %lt3A_593, %add3A_596, %xor3A_590 : vector<16xi1>, vector<16xi32>
        %broadcast_in_dim3A_598 = vector.shape_cast %select_n3A_597 : vector<16xi32> to vector<16x1xi32>
        %gather3A_599 = vector.shape_cast %broadcast_in_dim3A_598 : vector<16x1xi32> to vector<16xi32>
        %gather3A_600 = tpu.dynamic_gather %add3A_587[%gather3A_599] in [0] : vector<16xf32>, vector<16xi32> -> vector<16xf32>
        %add3A_601 = arith.addf %add3A_587, %gather3A_600 : vector<16xf32>
        %xor3A_602 = arith.constant 1 : i32
        %xor3A_603 = vector.broadcast %xor3A_602 : i32 to vector<16xi32>
        %xor3A_604 = arith.xori %iota3A, %xor3A_603 : vector<16xi32>
        %lt3A_605 = arith.constant 0 : i32
        %lt3A_606 = vector.broadcast %lt3A_605 : i32 to vector<16xi32>
        %lt3A_607 = arith.cmpi slt, %xor3A_604, %lt3A_606 : vector<16xi32>
        %add3A_608 = arith.constant 16 : i32
        %add3A_609 = vector.broadcast %add3A_608 : i32 to vector<16xi32>
        %add3A_610 = arith.addi %xor3A_604, %add3A_609 : vector<16xi32>
        %select_n3A_611 = arith.select %lt3A_607, %add3A_610, %xor3A_604 : vector<16xi1>, vector<16xi32>
        %broadcast_in_dim3A_612 = vector.shape_cast %select_n3A_611 : vector<16xi32> to vector<16x1xi32>
        %gather3A_613 = vector.shape_cast %broadcast_in_dim3A_612 : vector<16x1xi32> to vector<16xi32>
        %gather3A_614 = tpu.dynamic_gather %add3A_601[%gather3A_613] in [0] : vector<16xf32>, vector<16xi32> -> vector<16xf32>
        %add3A_615 = arith.addf %add3A_601, %gather3A_614 : vector<16xf32>
        %and3A_616 = arith.constant 15 : i32
        %and3A_617 = arith.andi %scan3A_198, %and3A_616 : i32
        %eq3A = vector.broadcast %and3A_617 : i32 to vector<16xi32>
        %eq3A_618 = arith.cmpi eq, %iota3A, %eq3A : vector<16xi32>
        %select_n3A_619 = arith.select %eq3A_618, %add3A_615, %scan3A_199 : vector<16xi1>, vector<16xf32>
        %and3A_620 = arith.constant 15 : i32
        %and3A_621 = arith.andi %scan3A_198, %and3A_620 : i32
        %eq3A_622 = arith.constant 15 : i32
        %eq3A_623 = arith.cmpi eq, %and3A_621, %eq3A_622 : i32
        %convert_element_type3A = arith.extui %eq3A_623 : i1 to i32
        %cond3A = arith.constant 0 : i32
        %cond3A_624 = arith.cmpi ne, %convert_element_type3A, %cond3A : i32
        scf.if %cond3A_624 {
          %sub3A_625 = arith.constant 15 : i32
          %sub3A_626 = arith.subi %scan3A_198, %sub3A_625 : i32
          %swap3A = arith.index_cast %sub3A_626 : i32 to index
          %swap3A_627 = tpu.vector_load %arg10[%swap3A] {strides = array<i32>} : memref<64xf32, #tpu.memory_space<vmem>>, vector<16xf32>,
          %swap3A_628 = vector.shape_cast %swap3A_627 : vector<16xf32> to vector<16xf32>
          %swap3A_629 = vector.shape_cast %select_n3A_619 : vector<16xf32> to vector<16xf32>
          tpu.vector_store %arg10[%swap3A], %swap3A_629 {strides = array<i32>} : memref<64xf32, #tpu.memory_space<vmem>>, vector<16xf32>,
        } else {
        }
        scf.yield %select_n3A_619 : vector<16xf32>
      }
      %scan3A_197 = arith.constant 64 : i32
      "tpu.region"() ({
        %run_scoped3A = tpu.sem_alloc : memref<!tpu.dma_semaphore, #tpu.memory_space<semaphore_mem>>
        %dma_start3A_198 = tpu.memref_slice %arg5[%multiple_of3A] : memref<16384xf32, #tpu.memory_space<hbm>> -> memref<64xf32, #tpu.memory_space<hbm>>
        %dma_start3A_199 = tpu.memref_slice %arg5[%multiple_of3A] : memref<16384xf32, #tpu.memory_space<hbm>> -> memref<64xf32, #tpu.memory_space<hbm>>
        tpu.enqueue_dma source(%arg10 : memref<64xf32, #tpu.memory_space<vmem>>) target(%dma_start3A_199 : memref<64xf32, #tpu.memory_space<hbm>>) target_semaphore(%run_scoped3A : memref<!tpu.dma_semaphore, #tpu.memory_space<semaphore_mem>>)
        %dma_wait3A_200 = tpu.memref_slice %arg5[%multiple_of3A] : memref<16384xf32, #tpu.memory_space<hbm>> -> memref<64xf32, #tpu.memory_space<hbm>>
        %dma_wait3A_201 = tpu.memref_slice %arg5[%multiple_of3A] : memref<16384xf32, #tpu.memory_space<hbm>> -> memref<64xf32, #tpu.memory_space<hbm>>
        tpu.wait_dma2 semaphore(%run_scoped3A : memref<!tpu.dma_semaphore, #tpu.memory_space<semaphore_mem>>) src(%arg10 : memref<64xf32, #tpu.memory_space<vmem>>) dst(%dma_wait3A_201 : memref<64xf32, #tpu.memory_space<hbm>>)
        tpu.yield
      }) : () -> ()
    }
    %scan3A_5 = arith.constant 8 : i32
    return
  }
}

module attributes {stable_mosaic.version = 14 : i64} {
  func.func @_knn_body(%arg0: i32, %arg1: i32, %arg2: memref<1x512x3xf32, #tpu.memory_space<vmem>>, %arg3: memref<1x3x4096xf32, #tpu.memory_space<vmem>>, %arg4: memref<1x512x16xi32, #tpu.memory_space<vmem>>, %arg5: memref<1x512x16xf32, #tpu.memory_space<vmem>>) attributes {dimension_semantics = [#tpu.dimension_semantics<arbitrary>, #tpu.dimension_semantics<arbitrary>], iteration_bounds = array<i64: 4, 8>, scalar_prefetch = 0 : i64, scratch_operands = 0 : i64, tpu.core_type = #tpu.core_type<tc>, window_params = [{transform_indices = @transform_0, window_bounds = array<i64: 1, 512, 3>}, {transform_indices = @transform_1, window_bounds = array<i64: 1, 3, 4096>}, {transform_indices = @transform_2, window_bounds = array<i64: 1, 512, 16>}, {transform_indices = @transform_3, window_bounds = array<i64: 1, 512, 16>}]} {
    %get3A = arith.constant 0 : index
    %get3A_0 = arith.constant 0 : index
    %get3A_1 = arith.constant 0 : index
    %get3A_2 = vector.load %arg2[%get3A, %get3A_0, %get3A_1] : memref<1x512x3xf32, #tpu.memory_space<vmem>>, vector<1x512x3xf32>
    %get3A_3 = vector.shape_cast %get3A_2 : vector<1x512x3xf32> to vector<512x3xf32>
    %get3A_4 = arith.constant 0 : index
    %get3A_5 = arith.constant 0 : index
    %get3A_6 = arith.constant 0 : index
    %get3A_7 = vector.load %arg3[%get3A_4, %get3A_5, %get3A_6] : memref<1x3x4096xf32, #tpu.memory_space<vmem>>, vector<1x3x4096xf32>
    %get3A_8 = vector.shape_cast %get3A_7 : vector<1x3x4096xf32> to vector<3x4096xf32>
    %slice3A = vector.extract_strided_slice %get3A_3 {offsets = [0, 0], sizes = [512, 1], strides = [1, 1]} : vector<512x3xf32> to vector<512x1xf32>
    %slice3A_9 = vector.extract_strided_slice %get3A_8 {offsets = [0, 0], sizes = [1, 4096], strides = [1, 1]} : vector<3x4096xf32> to vector<1x4096xf32>
    %sub3A = vector.broadcast %slice3A : vector<512x1xf32> to vector<512x4096xf32>
    %sub3A_10 = vector.broadcast %slice3A_9 : vector<1x4096xf32> to vector<512x4096xf32>
    %sub3A_11 = arith.subf %sub3A, %sub3A_10 : vector<512x4096xf32>
    %slice3A_12 = vector.extract_strided_slice %get3A_3 {offsets = [0, 1], sizes = [512, 1], strides = [1, 1]} : vector<512x3xf32> to vector<512x1xf32>
    %slice3A_13 = vector.extract_strided_slice %get3A_8 {offsets = [1, 0], sizes = [1, 4096], strides = [1, 1]} : vector<3x4096xf32> to vector<1x4096xf32>
    %sub3A_14 = vector.broadcast %slice3A_12 : vector<512x1xf32> to vector<512x4096xf32>
    %sub3A_15 = vector.broadcast %slice3A_13 : vector<1x4096xf32> to vector<512x4096xf32>
    %sub3A_16 = arith.subf %sub3A_14, %sub3A_15 : vector<512x4096xf32>
    %slice3A_17 = vector.extract_strided_slice %get3A_3 {offsets = [0, 2], sizes = [512, 1], strides = [1, 1]} : vector<512x3xf32> to vector<512x1xf32>
    %slice3A_18 = vector.extract_strided_slice %get3A_8 {offsets = [2, 0], sizes = [1, 4096], strides = [1, 1]} : vector<3x4096xf32> to vector<1x4096xf32>
    %sub3A_19 = vector.broadcast %slice3A_17 : vector<512x1xf32> to vector<512x4096xf32>
    %sub3A_20 = vector.broadcast %slice3A_18 : vector<1x4096xf32> to vector<512x4096xf32>
    %sub3A_21 = arith.subf %sub3A_19, %sub3A_20 : vector<512x4096xf32>
    %mul3A = arith.mulf %sub3A_11, %sub3A_11 : vector<512x4096xf32>
    %mul3A_22 = arith.mulf %sub3A_16, %sub3A_16 : vector<512x4096xf32>
    %add3A = arith.addf %mul3A, %mul3A_22 : vector<512x4096xf32>
    %mul3A_23 = arith.mulf %sub3A_21, %sub3A_21 : vector<512x4096xf32>
    %add3A_24 = arith.addf %add3A, %mul3A_23 : vector<512x4096xf32>
    %iota3A = tpu.iota {dimensions = array<i32: 1>} : vector<512x4096xi32>
    %bitcast_convert_type3A = tpu.bitcast %add3A_24 : vector<512x4096xf32> -> vector<512x4096xi32>
    %and3A = arith.constant -4096 : i32
    %and3A_25 = vector.broadcast %and3A : i32 to vector<512x4096xi32>
    %and3A_26 = arith.andi %bitcast_convert_type3A, %and3A_25 : vector<512x4096xi32>
    %or3A = arith.ori %and3A_26, %iota3A : vector<512x4096xi32>
    %mul3A_27 = arith.constant 512 : i32
    %mul3A_28 = arith.muli %arg1, %mul3A_27 : i32
    %iota3A_29 = tpu.iota {dimensions = array<i32: 0>} : vector<512x4096xi32>
    %add3A_30 = vector.broadcast %mul3A_28 : i32 to vector<512x4096xi32>
    %add3A_31 = arith.addi %add3A_30, %iota3A_29 : vector<512x4096xi32>
    %eq3A = arith.cmpi eq, %iota3A, %add3A_31 : vector<512x4096xi32>
    %bitcast_convert_type3A_32 = tpu.bitcast %or3A : vector<512x4096xi32> -> vector<512x4096xf32>
    %jit3A = arith.constant 3.40282347E+38 : f32
    %broadcast_in_dim3A = vector.broadcast %jit3A : f32 to vector<512x4096xf32>
    %select_n3A = arith.select %eq3A, %broadcast_in_dim3A, %bitcast_convert_type3A_32 : vector<512x4096xi1>, vector<512x4096xf32>
    %slice3A_33 = vector.extract_strided_slice %select_n3A {offsets = [0, 0], sizes = [512, 2048], strides = [1, 1]} : vector<512x4096xf32> to vector<512x2048xf32>
    %slice3A_34 = vector.extract_strided_slice %select_n3A {offsets = [0, 2048], sizes = [512, 2048], strides = [1, 1]} : vector<512x4096xf32> to vector<512x2048xf32>
    %min3A = arith.minimumf %slice3A_33, %slice3A_34 : vector<512x2048xf32>
    %slice3A_35 = vector.extract_strided_slice %select_n3A {offsets = [0, 0], sizes = [512, 2048], strides = [1, 1]} : vector<512x4096xf32> to vector<512x2048xf32>
    %slice3A_36 = vector.extract_strided_slice %select_n3A {offsets = [0, 2048], sizes = [512, 2048], strides = [1, 1]} : vector<512x4096xf32> to vector<512x2048xf32>
    %max3A = arith.maximumf %slice3A_35, %slice3A_36 : vector<512x2048xf32>
    %reduce_min3A = arith.constant dense<0x7F800000> : vector<512xf32>
    %reduce_min3A_37 = vector.multi_reduction <minimumf>, %min3A, %reduce_min3A [1] : vector<512x2048xf32> to vector<512xf32>
    %broadcast_in_dim3A_38 = vector.shape_cast %reduce_min3A_37 : vector<512xf32> to vector<512x1xf32>
    %eq3A_39 = vector.broadcast %broadcast_in_dim3A_38 : vector<512x1xf32> to vector<512x2048xf32>
    %eq3A_40 = arith.cmpf oeq, %min3A, %eq3A_39 : vector<512x2048xf32>
    %select_n3A_41 = arith.select %eq3A_40, %max3A, %min3A : vector<512x2048xi1>, vector<512x2048xf32>
    %jit3A_42 = arith.constant 3.40282347E+38 : f32
    %broadcast_in_dim3A_43 = vector.broadcast %jit3A_42 : f32 to vector<512x2048xf32>
    %select_n3A_44 = arith.select %eq3A_40, %broadcast_in_dim3A_43, %max3A : vector<512x2048xi1>, vector<512x2048xf32>
    %reduce_min3A_45 = arith.constant dense<0x7F800000> : vector<512xf32>
    %reduce_min3A_46 = vector.multi_reduction <minimumf>, %select_n3A_41, %reduce_min3A_45 [1] : vector<512x2048xf32> to vector<512xf32>
    %broadcast_in_dim3A_47 = vector.shape_cast %reduce_min3A_46 : vector<512xf32> to vector<512x1xf32>
    %eq3A_48 = vector.broadcast %broadcast_in_dim3A_47 : vector<512x1xf32> to vector<512x2048xf32>
    %eq3A_49 = arith.cmpf oeq, %select_n3A_41, %eq3A_48 : vector<512x2048xf32>
    %select_n3A_50 = arith.select %eq3A_49, %select_n3A_44, %select_n3A_41 : vector<512x2048xi1>, vector<512x2048xf32>
    %jit3A_51 = arith.constant 3.40282347E+38 : f32
    %broadcast_in_dim3A_52 = vector.broadcast %jit3A_51 : f32 to vector<512x2048xf32>
    %select_n3A_53 = arith.select %eq3A_49, %broadcast_in_dim3A_52, %select_n3A_44 : vector<512x2048xi1>, vector<512x2048xf32>
    %reduce_min3A_54 = arith.constant dense<0x7F800000> : vector<512xf32>
    %reduce_min3A_55 = vector.multi_reduction <minimumf>, %select_n3A_50, %reduce_min3A_54 [1] : vector<512x2048xf32> to vector<512xf32>
    %broadcast_in_dim3A_56 = vector.shape_cast %reduce_min3A_55 : vector<512xf32> to vector<512x1xf32>
    %eq3A_57 = vector.broadcast %broadcast_in_dim3A_56 : vector<512x1xf32> to vector<512x2048xf32>
    %eq3A_58 = arith.cmpf oeq, %select_n3A_50, %eq3A_57 : vector<512x2048xf32>
    %select_n3A_59 = arith.select %eq3A_58, %select_n3A_53, %select_n3A_50 : vector<512x2048xi1>, vector<512x2048xf32>
    %jit3A_60 = arith.constant 3.40282347E+38 : f32
    %broadcast_in_dim3A_61 = vector.broadcast %jit3A_60 : f32 to vector<512x2048xf32>
    %select_n3A_62 = arith.select %eq3A_58, %broadcast_in_dim3A_61, %select_n3A_53 : vector<512x2048xi1>, vector<512x2048xf32>
    %reduce_min3A_63 = arith.constant dense<0x7F800000> : vector<512xf32>
    %reduce_min3A_64 = vector.multi_reduction <minimumf>, %select_n3A_59, %reduce_min3A_63 [1] : vector<512x2048xf32> to vector<512xf32>
    %broadcast_in_dim3A_65 = vector.shape_cast %reduce_min3A_64 : vector<512xf32> to vector<512x1xf32>
    %eq3A_66 = vector.broadcast %broadcast_in_dim3A_65 : vector<512x1xf32> to vector<512x2048xf32>
    %eq3A_67 = arith.cmpf oeq, %select_n3A_59, %eq3A_66 : vector<512x2048xf32>
    %select_n3A_68 = arith.select %eq3A_67, %select_n3A_62, %select_n3A_59 : vector<512x2048xi1>, vector<512x2048xf32>
    %jit3A_69 = arith.constant 3.40282347E+38 : f32
    %broadcast_in_dim3A_70 = vector.broadcast %jit3A_69 : f32 to vector<512x2048xf32>
    %select_n3A_71 = arith.select %eq3A_67, %broadcast_in_dim3A_70, %select_n3A_62 : vector<512x2048xi1>, vector<512x2048xf32>
    %reduce_min3A_72 = arith.constant dense<0x7F800000> : vector<512xf32>
    %reduce_min3A_73 = vector.multi_reduction <minimumf>, %select_n3A_68, %reduce_min3A_72 [1] : vector<512x2048xf32> to vector<512xf32>
    %broadcast_in_dim3A_74 = vector.shape_cast %reduce_min3A_73 : vector<512xf32> to vector<512x1xf32>
    %eq3A_75 = vector.broadcast %broadcast_in_dim3A_74 : vector<512x1xf32> to vector<512x2048xf32>
    %eq3A_76 = arith.cmpf oeq, %select_n3A_68, %eq3A_75 : vector<512x2048xf32>
    %select_n3A_77 = arith.select %eq3A_76, %select_n3A_71, %select_n3A_68 : vector<512x2048xi1>, vector<512x2048xf32>
    %jit3A_78 = arith.constant 3.40282347E+38 : f32
    %broadcast_in_dim3A_79 = vector.broadcast %jit3A_78 : f32 to vector<512x2048xf32>
    %select_n3A_80 = arith.select %eq3A_76, %broadcast_in_dim3A_79, %select_n3A_71 : vector<512x2048xi1>, vector<512x2048xf32>
    %reduce_min3A_81 = arith.constant dense<0x7F800000> : vector<512xf32>
    %reduce_min3A_82 = vector.multi_reduction <minimumf>, %select_n3A_77, %reduce_min3A_81 [1] : vector<512x2048xf32> to vector<512xf32>
    %broadcast_in_dim3A_83 = vector.shape_cast %reduce_min3A_82 : vector<512xf32> to vector<512x1xf32>
    %eq3A_84 = vector.broadcast %broadcast_in_dim3A_83 : vector<512x1xf32> to vector<512x2048xf32>
    %eq3A_85 = arith.cmpf oeq, %select_n3A_77, %eq3A_84 : vector<512x2048xf32>
    %select_n3A_86 = arith.select %eq3A_85, %select_n3A_80, %select_n3A_77 : vector<512x2048xi1>, vector<512x2048xf32>
    %jit3A_87 = arith.constant 3.40282347E+38 : f32
    %broadcast_in_dim3A_88 = vector.broadcast %jit3A_87 : f32 to vector<512x2048xf32>
    %select_n3A_89 = arith.select %eq3A_85, %broadcast_in_dim3A_88, %select_n3A_80 : vector<512x2048xi1>, vector<512x2048xf32>
    %reduce_min3A_90 = arith.constant dense<0x7F800000> : vector<512xf32>
    %reduce_min3A_91 = vector.multi_reduction <minimumf>, %select_n3A_86, %reduce_min3A_90 [1] : vector<512x2048xf32> to vector<512xf32>
    %broadcast_in_dim3A_92 = vector.shape_cast %reduce_min3A_91 : vector<512xf32> to vector<512x1xf32>
    %eq3A_93 = vector.broadcast %broadcast_in_dim3A_92 : vector<512x1xf32> to vector<512x2048xf32>
    %eq3A_94 = arith.cmpf oeq, %select_n3A_86, %eq3A_93 : vector<512x2048xf32>
    %select_n3A_95 = arith.select %eq3A_94, %select_n3A_89, %select_n3A_86 : vector<512x2048xi1>, vector<512x2048xf32>
    %jit3A_96 = arith.constant 3.40282347E+38 : f32
    %broadcast_in_dim3A_97 = vector.broadcast %jit3A_96 : f32 to vector<512x2048xf32>
    %select_n3A_98 = arith.select %eq3A_94, %broadcast_in_dim3A_97, %select_n3A_89 : vector<512x2048xi1>, vector<512x2048xf32>
    %reduce_min3A_99 = arith.constant dense<0x7F800000> : vector<512xf32>
    %reduce_min3A_100 = vector.multi_reduction <minimumf>, %select_n3A_95, %reduce_min3A_99 [1] : vector<512x2048xf32> to vector<512xf32>
    %broadcast_in_dim3A_101 = vector.shape_cast %reduce_min3A_100 : vector<512xf32> to vector<512x1xf32>
    %eq3A_102 = vector.broadcast %broadcast_in_dim3A_101 : vector<512x1xf32> to vector<512x2048xf32>
    %eq3A_103 = arith.cmpf oeq, %select_n3A_95, %eq3A_102 : vector<512x2048xf32>
    %select_n3A_104 = arith.select %eq3A_103, %select_n3A_98, %select_n3A_95 : vector<512x2048xi1>, vector<512x2048xf32>
    %jit3A_105 = arith.constant 3.40282347E+38 : f32
    %broadcast_in_dim3A_106 = vector.broadcast %jit3A_105 : f32 to vector<512x2048xf32>
    %select_n3A_107 = arith.select %eq3A_103, %broadcast_in_dim3A_106, %select_n3A_98 : vector<512x2048xi1>, vector<512x2048xf32>
    %reduce_min3A_108 = arith.constant dense<0x7F800000> : vector<512xf32>
    %reduce_min3A_109 = vector.multi_reduction <minimumf>, %select_n3A_104, %reduce_min3A_108 [1] : vector<512x2048xf32> to vector<512xf32>
    %broadcast_in_dim3A_110 = vector.shape_cast %reduce_min3A_109 : vector<512xf32> to vector<512x1xf32>
    %eq3A_111 = vector.broadcast %broadcast_in_dim3A_110 : vector<512x1xf32> to vector<512x2048xf32>
    %eq3A_112 = arith.cmpf oeq, %select_n3A_104, %eq3A_111 : vector<512x2048xf32>
    %select_n3A_113 = arith.select %eq3A_112, %select_n3A_107, %select_n3A_104 : vector<512x2048xi1>, vector<512x2048xf32>
    %jit3A_114 = arith.constant 3.40282347E+38 : f32
    %broadcast_in_dim3A_115 = vector.broadcast %jit3A_114 : f32 to vector<512x2048xf32>
    %select_n3A_116 = arith.select %eq3A_112, %broadcast_in_dim3A_115, %select_n3A_107 : vector<512x2048xi1>, vector<512x2048xf32>
    %reduce_min3A_117 = arith.constant dense<0x7F800000> : vector<512xf32>
    %reduce_min3A_118 = vector.multi_reduction <minimumf>, %select_n3A_113, %reduce_min3A_117 [1] : vector<512x2048xf32> to vector<512xf32>
    %broadcast_in_dim3A_119 = vector.shape_cast %reduce_min3A_118 : vector<512xf32> to vector<512x1xf32>
    %eq3A_120 = vector.broadcast %broadcast_in_dim3A_119 : vector<512x1xf32> to vector<512x2048xf32>
    %eq3A_121 = arith.cmpf oeq, %select_n3A_113, %eq3A_120 : vector<512x2048xf32>
    %select_n3A_122 = arith.select %eq3A_121, %select_n3A_116, %select_n3A_113 : vector<512x2048xi1>, vector<512x2048xf32>
    %jit3A_123 = arith.constant 3.40282347E+38 : f32
    %broadcast_in_dim3A_124 = vector.broadcast %jit3A_123 : f32 to vector<512x2048xf32>
    %select_n3A_125 = arith.select %eq3A_121, %broadcast_in_dim3A_124, %select_n3A_116 : vector<512x2048xi1>, vector<512x2048xf32>
    %reduce_min3A_126 = arith.constant dense<0x7F800000> : vector<512xf32>
    %reduce_min3A_127 = vector.multi_reduction <minimumf>, %select_n3A_122, %reduce_min3A_126 [1] : vector<512x2048xf32> to vector<512xf32>
    %broadcast_in_dim3A_128 = vector.shape_cast %reduce_min3A_127 : vector<512xf32> to vector<512x1xf32>
    %eq3A_129 = vector.broadcast %broadcast_in_dim3A_128 : vector<512x1xf32> to vector<512x2048xf32>
    %eq3A_130 = arith.cmpf oeq, %select_n3A_122, %eq3A_129 : vector<512x2048xf32>
    %select_n3A_131 = arith.select %eq3A_130, %select_n3A_125, %select_n3A_122 : vector<512x2048xi1>, vector<512x2048xf32>
    %jit3A_132 = arith.constant 3.40282347E+38 : f32
    %broadcast_in_dim3A_133 = vector.broadcast %jit3A_132 : f32 to vector<512x2048xf32>
    %select_n3A_134 = arith.select %eq3A_130, %broadcast_in_dim3A_133, %select_n3A_125 : vector<512x2048xi1>, vector<512x2048xf32>
    %reduce_min3A_135 = arith.constant dense<0x7F800000> : vector<512xf32>
    %reduce_min3A_136 = vector.multi_reduction <minimumf>, %select_n3A_131, %reduce_min3A_135 [1] : vector<512x2048xf32> to vector<512xf32>
    %broadcast_in_dim3A_137 = vector.shape_cast %reduce_min3A_136 : vector<512xf32> to vector<512x1xf32>
    %eq3A_138 = vector.broadcast %broadcast_in_dim3A_137 : vector<512x1xf32> to vector<512x2048xf32>
    %eq3A_139 = arith.cmpf oeq, %select_n3A_131, %eq3A_138 : vector<512x2048xf32>
    %select_n3A_140 = arith.select %eq3A_139, %select_n3A_134, %select_n3A_131 : vector<512x2048xi1>, vector<512x2048xf32>
    %jit3A_141 = arith.constant 3.40282347E+38 : f32
    %broadcast_in_dim3A_142 = vector.broadcast %jit3A_141 : f32 to vector<512x2048xf32>
    %select_n3A_143 = arith.select %eq3A_139, %broadcast_in_dim3A_142, %select_n3A_134 : vector<512x2048xi1>, vector<512x2048xf32>
    %reduce_min3A_144 = arith.constant dense<0x7F800000> : vector<512xf32>
    %reduce_min3A_145 = vector.multi_reduction <minimumf>, %select_n3A_140, %reduce_min3A_144 [1] : vector<512x2048xf32> to vector<512xf32>
    %broadcast_in_dim3A_146 = vector.shape_cast %reduce_min3A_145 : vector<512xf32> to vector<512x1xf32>
    %eq3A_147 = vector.broadcast %broadcast_in_dim3A_146 : vector<512x1xf32> to vector<512x2048xf32>
    %eq3A_148 = arith.cmpf oeq, %select_n3A_140, %eq3A_147 : vector<512x2048xf32>
    %select_n3A_149 = arith.select %eq3A_148, %select_n3A_143, %select_n3A_140 : vector<512x2048xi1>, vector<512x2048xf32>
    %jit3A_150 = arith.constant 3.40282347E+38 : f32
    %broadcast_in_dim3A_151 = vector.broadcast %jit3A_150 : f32 to vector<512x2048xf32>
    %select_n3A_152 = arith.select %eq3A_148, %broadcast_in_dim3A_151, %select_n3A_143 : vector<512x2048xi1>, vector<512x2048xf32>
    %reduce_min3A_153 = arith.constant dense<0x7F800000> : vector<512xf32>
    %reduce_min3A_154 = vector.multi_reduction <minimumf>, %select_n3A_149, %reduce_min3A_153 [1] : vector<512x2048xf32> to vector<512xf32>
    %broadcast_in_dim3A_155 = vector.shape_cast %reduce_min3A_154 : vector<512xf32> to vector<512x1xf32>
    %eq3A_156 = vector.broadcast %broadcast_in_dim3A_155 : vector<512x1xf32> to vector<512x2048xf32>
    %eq3A_157 = arith.cmpf oeq, %select_n3A_149, %eq3A_156 : vector<512x2048xf32>
    %select_n3A_158 = arith.select %eq3A_157, %select_n3A_152, %select_n3A_149 : vector<512x2048xi1>, vector<512x2048xf32>
    %reduce_min3A_159 = arith.constant dense<0x7F800000> : vector<512xf32>
    %reduce_min3A_160 = vector.multi_reduction <minimumf>, %select_n3A_158, %reduce_min3A_159 [1] : vector<512x2048xf32> to vector<512xf32>
    %broadcast_in_dim3A_161 = vector.shape_cast %reduce_min3A_160 : vector<512xf32> to vector<512x1xf32>
    %concatenate3A = tpu.concatenate %broadcast_in_dim3A_38, %broadcast_in_dim3A_47, %broadcast_in_dim3A_56, %broadcast_in_dim3A_65, %broadcast_in_dim3A_74, %broadcast_in_dim3A_83, %broadcast_in_dim3A_92, %broadcast_in_dim3A_101, %broadcast_in_dim3A_110, %broadcast_in_dim3A_119, %broadcast_in_dim3A_128, %broadcast_in_dim3A_137, %broadcast_in_dim3A_146, %broadcast_in_dim3A_155, %broadcast_in_dim3A_161 in 1 : vector<512x1xf32>, vector<512x1xf32>, vector<512x1xf32>, vector<512x1xf32>, vector<512x1xf32>, vector<512x1xf32>, vector<512x1xf32>, vector<512x1xf32>, vector<512x1xf32>, vector<512x1xf32>, vector<512x1xf32>, vector<512x1xf32>, vector<512x1xf32>, vector<512x1xf32>, vector<512x1xf32> -> vector<512x15xf32>
    %bitcast_convert_type3A_162 = tpu.bitcast %concatenate3A : vector<512x15xf32> -> vector<512x15xi32>
    %and3A_163 = arith.constant 4095 : i32
    %and3A_164 = vector.broadcast %and3A_163 : i32 to vector<512x15xi32>
    %and3A_165 = arith.andi %bitcast_convert_type3A_162, %and3A_164 : vector<512x15xi32>
    %and3A_166 = arith.constant -4096 : i32
    %and3A_167 = vector.broadcast %and3A_166 : i32 to vector<512x15xi32>
    %and3A_168 = arith.andi %bitcast_convert_type3A_162, %and3A_167 : vector<512x15xi32>
    %bitcast_convert_type3A_169 = tpu.bitcast %and3A_168 : vector<512x15xi32> -> vector<512x15xf32>
    %sqrt3A = math.sqrt %bitcast_convert_type3A_169 : vector<512x15xf32>
    %add3A_170 = arith.constant 9.99999974E-6 : f32
    %add3A_171 = vector.broadcast %add3A_170 : f32 to vector<512x15xf32>
    %add3A_172 = arith.addf %sqrt3A, %add3A_171 : vector<512x15xf32>
    %div3A = arith.constant 1.000000e+00 : f32
    %div3A_173 = vector.broadcast %div3A : f32 to vector<512x15xf32>
    %div3A_174 = arith.divf %div3A_173, %add3A_172 : vector<512x15xf32>
    %mul3A_175 = arith.constant 512 : i32
    %mul3A_176 = arith.muli %arg1, %mul3A_175 : i32
    %iota3A_177 = tpu.iota {dimensions = array<i32: 0>} : vector<512x1xi32>
    %add3A_178 = vector.broadcast %mul3A_176 : i32 to vector<512x1xi32>
    %add3A_179 = arith.addi %add3A_178, %iota3A_177 : vector<512x1xi32>
    %concatenate3A_180 = tpu.concatenate %add3A_179, %and3A_165 in 1 : vector<512x1xi32>, vector<512x15xi32> -> vector<512x16xi32>
    %mul3A_181 = arith.constant 4096 : i32
    %mul3A_182 = arith.muli %arg0, %mul3A_181 : i32
    %add3A_183 = vector.broadcast %mul3A_182 : i32 to vector<512x16xi32>
    %add3A_184 = arith.addi %concatenate3A_180, %add3A_183 : vector<512x16xi32>
    %swap3A = arith.constant 0 : index
    %swap3A_185 = arith.constant 0 : index
    %swap3A_186 = arith.constant 0 : index
    %swap3A_187 = vector.load %arg4[%swap3A, %swap3A_185, %swap3A_186] : memref<1x512x16xi32, #tpu.memory_space<vmem>>, vector<1x512x16xi32>
    %swap3A_188 = vector.shape_cast %swap3A_187 : vector<1x512x16xi32> to vector<512x16xi32>
    %swap3A_189 = vector.shape_cast %add3A_184 : vector<512x16xi32> to vector<1x512x16xi32>
    tpu.vector_store %arg4[%swap3A, %swap3A_185, %swap3A_186], %swap3A_189 {strides = array<i32>} : memref<1x512x16xi32, #tpu.memory_space<vmem>>, vector<1x512x16xi32>,
    %broadcast_in_dim3A_190 = arith.constant 0.000000e+00 : f32
    %broadcast_in_dim3A_191 = vector.broadcast %broadcast_in_dim3A_190 : f32 to vector<512x1xf32>
    %concatenate3A_192 = tpu.concatenate %broadcast_in_dim3A_191, %div3A_174 in 1 : vector<512x1xf32>, vector<512x15xf32> -> vector<512x16xf32>
    %swap3A_193 = arith.constant 0 : index
    %swap3A_194 = arith.constant 0 : index
    %swap3A_195 = arith.constant 0 : index
    %swap3A_196 = vector.load %arg5[%swap3A_193, %swap3A_194, %swap3A_195] : memref<1x512x16xf32, #tpu.memory_space<vmem>>, vector<1x512x16xf32>
    %swap3A_197 = vector.shape_cast %swap3A_196 : vector<1x512x16xf32> to vector<512x16xf32>
    %swap3A_198 = vector.shape_cast %concatenate3A_192 : vector<512x16xf32> to vector<1x512x16xf32>
    tpu.vector_store %arg5[%swap3A_193, %swap3A_194, %swap3A_195], %swap3A_198 {strides = array<i32>} : memref<1x512x16xf32, #tpu.memory_space<vmem>>, vector<1x512x16xf32>,
    return
  }
  func.func @transform_0(%arg0: i32, %arg1: i32) -> (i32, i32, i32) {
    %c0_i32 = arith.constant 0 : i32
    %c0_i32_0 = arith.constant 0 : i32
    return %arg0, %arg1, %c0_i32 : i32, i32, i32
  }
  func.func @transform_1(%arg0: i32, %arg1: i32) -> (i32, i32, i32) {
    %c0_i32 = arith.constant 0 : i32
    %c0_i32_0 = arith.constant 0 : i32
    %c0_i32_1 = arith.constant 0 : i32
    return %arg0, %c0_i32, %c0_i32_0 : i32, i32, i32
  }
  func.func @transform_2(%arg0: i32, %arg1: i32) -> (i32, i32, i32) {
    %c0_i32 = arith.constant 0 : i32
    %c0_i32_0 = arith.constant 0 : i32
    return %arg0, %arg1, %c0_i32 : i32, i32, i32
  }
  func.func @transform_3(%arg0: i32, %arg1: i32) -> (i32, i32, i32) {
    %c0_i32 = arith.constant 0 : i32
    %c0_i32_0 = arith.constant 0 : i32
    return %arg0, %arg1, %c0_i32 : i32, i32, i32
  }
}

</mosaic_0001>

<sc_bundles>
// kernel: kernel.4.cloned.1.call-start
scs
__scs_entry_jumppad:
0x0: {  	(pc) =	sbr.rel $0x88, $3  }
0x1: {  	(tag) =	ssettag $0x0;
	lr =	simm.s32 $0x1  }
0x2: {  	[smem:$0x3F9E] =	sst lr;
	_ =	strace $0xD0000000  }
0x3: {  	_ = 	snop  }
0x4: {  	_ = 	snop  }
0x5: {  	_ = 	snop  }
0x6: {  	_ = 	snop  }
0x7: {  	_ = 	snop  }
__scs_overlays_trampoline_lowered:
0x8: {  	[smem:$0x3FAD] =	sst s0  }
0x9: {  	[smem:$0x3FAE] =	sst s1  }
0xa: {  	[smem:$0x3FAF] =	sst s2  }
0xb: {  	[smem:$0x3FB0] =	sst s3  }
0xc: {  	[smem:$0x3FB1] =	sst s4  }
0xd: {  	[smem:$0x3FB2] =	sst s5  }
0xe: {  	[smem:$0x3FB3] =	sst s6  }
0xf: {  	[smem:$0x3FB4] =	sst s7  }
0x10: {  	[smem:$0x3FB5] =	sst s8  }
0x11: {  	[smem:$0x3FB6] =	sst s9;
	s0 =	simm.s32 @!p0 $0x0  }
0x12: {  	s1 =	sld [smem:$0x3F9C];
	s0 =	simm.s32 @p0 $0x1  }
0x13: {  	[smem:$0x3FB7] =	sst s0;
	s0 =	simm.s32 @!p1 $0x0  }
0x14: {  	s2 =	sld [smem:$0x3F9B];
	s0 =	simm.s32 @p1 $0x1  }
0x15: {  	[smem:$0x3FB8] =	sst s0;
	s0 =	simm.s32 @!p2 $0x0  }
0x16: {  	s3 =	sld [smem:$0x3FDB];
	s0 =	simm.s32 @p2 $0x1  }
0x17: {  	s4 =	simm.s32 $0x1BF5;
	[smem:$0x3FBA] =	sst s0  }
0x18: {  	s0 =	sld [smem:$0x3F9D];
	_ =	swait.ge [sflag:s4], $0x0  }
0x19: {  	s7 =	sld [smem:$0x3F9E]  }
0x1a: {  	s8 =	sadd.s32 $0xFFFFE003, lr  }
0x1b: {  	s9 =	sadd.s32 $0xFFFFFEF7, lr;
	s5 =	simm.s32 $0xFFFFFFFF;
	p2 =	slt.u32 s8, $0xFFFFF086  }
0x1c: {  	p1 =	slt.u32 s9, $0xF7A;
	s5 =	simm.s32 @!p2 $0x0  }
0x1d: {  	s5 =	simm.s32 @p1 $0x1;
	p0 =	seq.s32 s7, s2  }
0x1e: {  	s7 =	smul.u32 @!p0 $0xF7A, s2;
	p2 =	seq.s32 @!p0 s5, $0x0  }
0x1f: {  	s9 =	smul.u32 $0xF7A, s1;
	s8 =	simm.s32 @!p0 $0x1BF5;
	p2 =	por !p2, p0  }
0x20: {  	[sflag:s8] =	ssyncset.s32 @!p0 $0xFFFFF086;
	s6 =	sadd.s32 @!p0 s3, s7;
	s7 =	simm.s32 @!p0 $0x108  }
0x21: {  	s3 =	sadd.s32 s3, s9;
	s6 =	sadd.s32 @!p0 $0x88, s6;
	s7 =	simm.s32 @p2 $0x1082  }
0x22: {  	[simem:s7], [sflag:s8] =	dma.local @!p0 [hbm:s6], $0xF7A  }
0x23: {  	s9 =	sor.u32 $0xD0000000, s2;
	s6 =	simm.s32 $0x108;
	_ =	swait.ge @!p0 [sflag:s8], $0x0  }
0x24: {  	s3 =	sadd.s32 $0x88, s3;
	s6 =	simm.s32 @!p1 $0x1082;
	[sflag:s4] =	ssyncset.s32 $0xFFFFF086  }
0x25: {  	[simem:s6], [sflag:s4] =	dma.local [hbm:s3], $0xF7A  }
0x26: {  	[smem:$0x3F9E] =	sst s1;
	(tag) =	ssettag s2;
	_ =	strace s9  }
0x27: {  	s1 =	sld [smem:$0x3FAE]  }
0x28: {  	s2 =	sld [smem:$0x3FAF]  }
0x29: {  	s4 =	sld [smem:$0x3FB1]  }
0x2a: {  	p0 =	seq.s32 s5, $0x0;
	s5 =	sld [smem:$0x3FB2]  }
0x2b: {  	s6 =	sld [smem:$0x3FB3]  }
0x2c: {  	s7 =	sld [smem:$0x3FB4]  }
0x2d: {  	s3 =	simm.s32 $0x108;
	s8 =	sld [smem:$0x3FB5]  }
0x2e: {  	s3 =	simm.s32 @!p0 $0x1082;
	s9 =	sld [smem:$0x3FB6]  }
0x2f: {  	lr =	sadd.s32 s0, s3;
	s0 =	sld [smem:$0x3FAD]  }
0x30: {  	s3 =	sld [smem:$0x3FB0]  }
0x31: {  	[smem:$0x3FB9] =	sst s10  }
0x32: {  	s10 =	sld [smem:$0x3FB7];
	_ =	sdelay $0x3  }
0x33: {  	p0 =	seq.s32 s10, $0x1;
	s10 =	sld [smem:$0x3FB9];
	_ =	sdelay $0x3  }
0x34: {  	[smem:$0x3FB9] =	sst s10  }
0x35: {  	s10 =	sld [smem:$0x3FB8];
	_ =	sdelay $0x3  }
0x36: {  	p1 =	seq.s32 s10, $0x1;
	s10 =	sld [smem:$0x3FB9];
	_ =	sdelay $0x3  }
0x37: {  	[smem:$0x3FB9] =	sst s10  }
0x38: {  	s10 =	sld [smem:$0x3FBA]  }
0x39: {  	_ = 	snop;
	(pc) =	sbr.ind lr, $3  }
0x3a: {  	_ = 	snop  }
0x3b: {  	_ = 	snop  }
0x3c: {  	p2 =	seq.s32 s10, $0x1;
	s10 =	sld [smem:$0x3FB9]  }
0x3d: {  	_ =	shalt  }
0x3e: {  	_ =	shalt  }
0x3f: {  	_ =	shalt  }
0x40: {  	_ =	shalt  }
0x41: {  	_ =	shalt  }
0x42: {  	_ =	shalt  }
0x43: {  	_ =	shalt  }
0x44: {  	_ =	shalt  }
0x45: {  	_ =	shalt  }
0x46: {  	_ =	shalt  }
0x47: {  	_ =	shalt  }
0x48: {  	_ =	shalt  }
0x49: {  	_ =	shalt  }
0x4a: {  	_ =	shalt  }
0x4b: {  	_ =	shalt  }
0x4c: {  	_ =	shalt  }
0x4d: {  	_ =	shalt  }
0x4e: {  	_ =	shalt  }
0x4f: {  	_ =	shalt  }
0x50: {  	_ =	shalt  }
0x51: {  	_ =	shalt  }
0x52: {  	_ =	shalt  }
0x53: {  	_ =	shalt  }
0x54: {  	_ =	shalt  }
0x55: {  	_ =	shalt  }
0x56: {  	_ =	shalt  }
0x57: {  	_ =	shalt  }
0x58: {  	_ =	shalt  }
0x59: {  	_ =	shalt  }
0x5a: {  	_ =	shalt  }
0x5b: {  	_ =	shalt  }
0x5c: {  	_ =	shalt  }
0x5d: {  	_ =	shalt  }
0x5e: {  	_ =	shalt  }
0x5f: {  	_ =	shalt  }
0x60: {  	_ =	shalt  }
0x61: {  	_ =	shalt  }
0x62: {  	_ =	shalt  }
0x63: {  	_ =	shalt  }
0x64: {  	_ =	shalt  }
0x65: {  	_ =	shalt  }
0x66: {  	_ =	shalt  }
0x67: {  	_ =	shalt  }
0x68: {  	_ =	shalt  }
0x69: {  	_ =	shalt  }
0x6a: {  	_ =	shalt  }
0x6b: {  	_ =	shalt  }
0x6c: {  	_ =	shalt  }
0x6d: {  	_ =	shalt  }
0x6e: {  	_ =	shalt  }
0x6f: {  	_ =	shalt  }
0x70: {  	_ =	shalt  }
0x71: {  	_ =	shalt  }
0x72: {  	_ =	shalt  }
0x73: {  	_ =	shalt  }
0x74: {  	_ =	shalt  }
0x75: {  	_ =	shalt  }
0x76: {  	_ =	shalt  }
0x77: {  	_ =	shalt  }
0x78: {  	_ =	shalt  }
0x79: {  	_ =	shalt  }
0x7a: {  	_ =	shalt  }
0x7b: {  	_ =	shalt  }
0x7c: {  	_ =	shalt  }
0x7d: {  	_ =	shalt  }
0x7e: {  	_ =	shalt  }
0x7f: {  	_ =	shalt  }
0x80: {  	_ =	shalt  }
0x81: {  	_ =	shalt  }
0x82: {  	_ =	shalt  }
0x83: {  	_ =	shalt  }
0x84: {  	_ =	shalt  }
0x85: {  	_ =	shalt  }
0x86: {  	_ =	shalt  }
0x87: {  	_ =	shalt  }
.Lfunc_end0:
.L_simem_size_0:
called_computation_lowered:
.L_overlay_start_0:
0x88: {  	s2 =	sld [smem:$0x3FD9]  }
0x89: {  	s3 =	sld [smem:$0x3FFE];
	_ =	sdelay $0x1  }
0x8a: {  	s1 =	srdreg.scid  }
0x8b: {  	s0 =	sand.u32 $0x1, s1  }
0x8c: {  	s16 =	sshll.u32 s0, $0xA;
	s2 =	sadd.s32 s3, s2  }
0x8d: {  	s2 =	sadd.s32 s2, s16  }
0x8e: {  	[smem:$0x3FC5] =	sst s2  }
0x8f: {  	_ = 	snop  }
0x90: {  	(tm) =	ssettm $0x1  }
0x91: {  	s17 =	sld [smem:$0x3FFB];
	_ =	sdelay $0x3  }
0x92: {  	_ =	strace s17  }
0x93: {  	s2 =	sld [smem:$0x3FFC];
	_ =	sdelay $0x3  }
0x94: {  	_ =	strace s2  }
0x95: {  	s2 =	sld [smem:$0x3FFD];
	_ =	sdelay $0x3  }
0x96: {  	_ =	strace s2  }
0x97: {  	_ =	strace $0x8FFFFFFF  }
0x98: {  	s18 =	sld [smem:$0x3FDB];
	_ =	sdelay $0x1  }
0x99: {  	s19 =	simm.s32 $_scs_section_size  }
0x9a: {  	s4 =	simm.s32 $_size__tile_overlayer_lowered;
	s5 =	simm.s32 $_tile_overlayer_lowered  }
0x9b: {  	s22 =	simm.s32 $0x1BFF;
	s21 =	sshll.u32 s5, $0x1;
	s2 =	sadd.s32 s19, s18  }
0x9c: {  	s6 =	simm.s32 $0x0;
	s20 =	sshll.u32 s4, $0x1;
	s4 =	sadd.s32 s21, s2  }
0x9d: {  	[timem:s6], [sflag:s22] =	dma.local [hbm:s4], s20  }
0x9e: {  	_ =	swait.ge [sflag:s22], s20  }
0x9f: {  	s3 =	ssub.s32 $0x0, s20;
	[sflag:s22] =	ssyncset.done $0x0  }
0xa0: {  	[sflag:s22] =	ssyncadd.s32 s3;
	_ =	sdelay $0x1  }
0xa1: {  	s23 =	simm.s32 $0x1B8B  }
0xa2: {  	_ =	swait.ge [sflag:s23], $0x1  }
0xa3: {  	[sflag:s23] =	ssyncset.done $0x0  }
0xa4: {  	s25 =	simm.s32 $0x1B8E;
	s24 =	sld [smem:$0x3FFE];
	[sflag:s23] =	ssyncadd.s32 $0xFFFFFFFF  }
0xa5: {  	s26 =	simm.s32 $execute0_lowered;
	[smem:$0x3FD2] =	sst s25  }
0xa6: {  	s4 =	sshll.u32 s26, $0x1;
	_ =	strace $0x80000046;
	[dreg:$0x1] =	wrdreg $0xFFFFFFFF  }
0xa7: {  	s28 =	simm.s32 $_size_execute0_lowered;
	s2 =	sadd.s32 s2, s4;
	[dreg:$0x0] =	wrdreg $0x0  }
0xa8: {  	s4 =	sshll.u32 s28, $0x1;
	[dreg:$0x2] =	wrdreg s2  }
0xa9: {  	[dreg:$0x3] =	wrdreg s4  }
0xaa: {  	[dreg:$0x4] =	wrdreg $0xC0  }
0xab: {  	_ =	task [dreg:s6], $0x5FFFF  }
0xac: {  	[dreg:$0x1] =	wrdreg $0xFFFFFFFF  }
0xad: {  	[dreg:$0x0] =	wrdreg $0x60  }
0xae: {  	[dreg:$0x2] =	wrdreg s24  }
0xaf: {  	[dreg:$0x3] =	wrdreg $0x9  }
0xb0: {  	_ =	task.clear_ibuf [dreg:s6], $0x4FFFF;
	_ =	strace $0x90000046  }
0xb1: {  	s29 =	simm.s32 $0x9;
	_ =	strace $0x80000048  }
0xb2: {  	_ =	swait.ge [sflag:s29], $0x1  }
0xb3: {  	[sflag:s29] =	ssyncadd.s32 $0xFFFFFFFF  }
0xb4: {  	_ =	strace $0x90000048  }
0xb5: {  	_ =	sfence  }
0xb6: {  	s30 =	sld [smem:$0x0];
	_ =	sdelay $0x2  }
0xb7: {  	s31 =	sshll.u32 s1, $0xD;
	s1 =	sshrl.u32 s1, $0x2  }
0xb8: {  	s3 =	sand.u32 $0x4000, s31;
	s1 =	sadd.s32 s1, s30  }
0xb9: {  	s0 =	sor.u32 s3, s0;
	s1 =	sshll.u32 s1, $0x11  }
0xba: {  	s0 =	sor.u32 s1, s0  }
0xbb: {  	s0 =	sadd.s32 $0x8F2B, s0  }
0xbc: {  	[sflag:s0] =	ssyncadd.remote.s32 $0x1  }
0xbd: {  	_ =	sfence.sel $0xFFFF  }
0xbe: {  	[dreg:$0x0] =	wrdreg $0xFFFFFFFF;
	(pc) =	sbr.abs _section_cstart, $3  }
0xbf: {  	[dreg:$0x1] =	wrdreg $0xFFFFFFFF  }
0xc0: {  	_ =	task.clear_ibuf [dreg:s6], $0x2FFFF;
	_ =	strace $0x9FFFFFFF  }
0xc1: {  	(tm) =	ssettm $0x7FFFFFFF  }
tec
execute0_lowered:
.L_overlay_start_1:
0x0: {  	(tag) =	ssettag $0x1  }
0x1: {  	s0 =	rddreg [dreg:$0x0];
	s1 =	simm.s32 $0x0  }
0x2: {  	v0 =	vimm.s32 $0xFEDCBA98;
	s30 =	srdreg.scid;
	v1 =	vimm.s32 $0x76543210;
	s7 =	stileid.u32;
	s9 =	simm.s32 $0x400  }
0x3: {  	v2 =	vimm.s32 $0xBA98FEDC;
	v3 =	vimm.s32 $0x32107654;
	s10 =	simm.s32 $0x1400;
	s12 =	simm.s32 $0x2;
	s13 =	simm.s32 $0x80  }
0x4: {  	v4 =	vimm.s32 $0xDCFE98BA;
	v5 =	vimm.s32 $0x54761032;
	s14 =	simm.s32 $0x100;
	s15 =	simm.s32 $0x2400;
	s16 =	simm.s32 $0x180  }
0x5: {  	v6 =	vimm.s32 $0xEFCDAB89;
	s17 =	simm.s32 $0x3400;
	s18 =	simm.s32 $0x200;
	s19 =	simm.s32 $0x4400  }
0x6: {  	v7 =	vimm.s32 $0x67452301;
	s20 =	simm.s32 $0x280;
	s21 =	simm.s32 $0x5400;
	s22 =	simm.s32 $0x300;
	v0 =	vunpack.c.l.s4.s8 v0;
	v1 =	vunpack.c.l.s4.s8 v1  }
0x7: {  	s23 =	simm.s32 $0x6400;
	s24 =	simm.s32 $0x380;
	s25 =	simm.s32 $0x7400;
	v2 =	vunpack.c.l.s4.s8 v2;
	v3 =	vunpack.c.l.s4.s8 v3;
	v4 =	vunpack.c.l.s4.s8 v4  }
0x8: {  	s26 =	simm.s32 $0x1;
	[smem:$0x7FF] =	sst s1;
	s1 =	sand.u32 $0x1, s30;
	v5 =	vunpack.c.l.s4.s8 v5;
	v6 =	vunpack.c.l.s4.s8 v6;
	v7 =	vunpack.c.l.s4.s8 v7  }
0x9: {  	s28 =	simm.s32 $0x9000;
	s2 =	sadd.s32 $0x10600, s0;
	s31 =	ssub.s32 $0x2, s1;
	v0 =	vunpack.c.0.s8.s32 v0;
	v1 =	vunpack.c.0.s8.s32 v1;
	v2 =	vunpack.c.0.s8.s32 v2  }
0xa: {  	s3 =	sadd.s32 $0x8600, s0;
	s4 =	sadd.s32 $0x600, s0;
	s5 =	sshrl.u32 s31, $0x1;
	v3 =	vunpack.c.0.s8.s32 v3;
	v4 =	vunpack.c.0.s8.s32 v4;
	v5 =	vunpack.c.0.s8.s32 v5  }
0xb: {  	s6 =	sadd.s32 $0x20600, s0;
	s7 =	sshll.u32 s7, $0xA;
	v6 =	vunpack.c.0.s8.s32 v6;
	v7 =	vunpack.c.0.s8.s32 v7;
	s0 =	ssub.s32 s31, s5;
	v0 =	vand.u32 $0xF, v0  }
0xc: {  	_ =	strace $0x80000047;
	s1 =	sshll.u32 s1, $0x9;
	s0 =	smax.u32 s0, $0x1;
	v0 =	vcombine.low v0, v1;
	v1 =	vcombine.low v3, v2  }
0xd: {  	s7 =	sor.u32 s1, s7;
	s1 =	simm.s32 $0x0;
	[dreg:$0x2] =	wrdreg s0;
	v2 =	vcombine.low v5, v4;
	v3 =	vcombine.low v7, v6;
	v4 =	vlaneseq.u32  }
.LBB2_1:
0xe: {  	[dreg:$0x3] =	wrdreg s1;
	s30 =	simm.s32 $0x0  }
.LBB2_2:
0xf: {  	s0 =	sshll.u32 s30, $0x6  }
0x10: {  	s31 =	sadd.s32 s7, s0  }
0x11: {  	s0 =	sshll.u32 s31, $0x1  }
0x12: {  	s1 =	simm.s32 $0x0;
	s5 =	sadd.s32 s3, s0  }
0x13: {  	[tilespmem:s1], [sflag:$0x2] =	stream.linear.gather [hbm4b:s5+s1], $0x400, $0x38;
	[tilespmem:$0x9040] =	vst v63  }
0x14: {  	_ =	swait.ge [sflag:s12], $0x400  }
0x15: {  	[sflag:s12] =	ssyncset.done $0x0  }
0x16: {  	s11 =	sadd.s32 s4, s0;
	s0 =	simm.s32 $0x8C00;
	[sflag:s12] =	ssyncadd.s32 $0xFFFFFC00  }
0x17: {  	[tilespmem:s0], [sflag:$0x2] =	stream.linear.gather [hbm4b:s11+s1], $0x400, $0x38;
	[tilespmem:$0x9040] =	vst v63  }
0x18: {  	_ =	swait.ge [sflag:s12], $0x400  }
0x19: {  	s8 =	sshll.u32 s31, $0x2;
	[sflag:s12] =	ssyncset.done $0x0  }
0x1a: {  	s5 =	sadd.s32 s2, s8;
	s8 =	simm.s32 $0x8400;
	[sflag:s12] =	ssyncadd.s32 $0xFFFFFC00  }
0x1b: {  	[tilespmem:s8], [sflag:$0x2] =	stream.linear.gather [hbm4b:s5+s1], $0x800, $0x38;
	[tilespmem:$0x9040] =	vst v63  }
0x1c: {  	_ =	swait.ge [sflag:s12], $0x800  }
0x1d: {  	[sflag:s12] =	ssyncset.done $0x0  }
0x1e: {  	[sflag:s12] =	ssyncadd.s32 $0xFFFFF800  }
0x1f: {  	[tilespmem:s9], [sflag:$0x1] =	stream.indirect.gather [hbm4b:s2+s13], $0x20, s1, s13, $0xb8;
	[tilespmem:$0x9040] =	vst v63  }
0x20: {  	_ = 	snop  }
0x21: {  	[tilespmem:s10], [sflag:$0x1] =	stream.indirect.gather [hbm4b:s2+s13], $0x20, s13, s13, $0xb8;
	[tilespmem:$0x9040] =	vst v63  }
0x22: {  	_ = 	snop  }
0x23: {  	[tilespmem:s15], [sflag:$0x1] =	stream.indirect.gather [hbm4b:s2+s13], $0x20, s14, s13, $0xb8;
	[tilespmem:$0x9040] =	vst v63  }
0x24: {  	_ = 	snop  }
0x25: {  	[tilespmem:s17], [sflag:$0x1] =	stream.indirect.gather [hbm4b:s2+s13], $0x20, s16, s13, $0xb8;
	[tilespmem:$0x9040] =	vst v63  }
0x26: {  	_ = 	snop  }
0x27: {  	[tilespmem:s19], [sflag:$0x1] =	stream.indirect.gather [hbm4b:s2+s13], $0x20, s18, s13, $0xb8;
	[tilespmem:$0x9040] =	vst v63  }
0x28: {  	_ = 	snop  }
0x29: {  	[tilespmem:s21], [sflag:$0x1] =	stream.indirect.gather [hbm4b:s2+s13], $0x20, s20, s13, $0xb8;
	[tilespmem:$0x9040] =	vst v63  }
0x2a: {  	_ = 	snop  }
0x2b: {  	[tilespmem:s23], [sflag:$0x1] =	stream.indirect.gather [hbm4b:s2+s13], $0x20, s22, s13, $0xb8;
	[tilespmem:$0x9040] =	vst v63  }
0x2c: {  	_ = 	snop  }
0x2d: {  	[tilespmem:s25], [sflag:$0x1] =	stream.indirect.gather [hbm4b:s2+s13], $0x20, s24, s13, $0xb8;
	[tilespmem:$0x9040] =	vst v63  }
0x2e: {  	_ =	swait.ge [sflag:s26], $0x1000  }
0x2f: {  	[sflag:s26] =	ssyncset.done $0x0  }
0x30: {  	[sflag:s26] =	ssyncadd.s32 $0xFFFFF000  }
0x31: {  	_ =	swait.ge [sflag:s26], $0x1000  }
0x32: {  	[sflag:s26] =	ssyncset.done $0x0  }
0x33: {  	[sflag:s26] =	ssyncadd.s32 $0xFFFFF000  }
0x34: {  	_ =	swait.ge [sflag:s26], $0x1000  }
0x35: {  	[sflag:s26] =	ssyncset.done $0x0  }
0x36: {  	[sflag:s26] =	ssyncadd.s32 $0xFFFFF000  }
0x37: {  	_ =	swait.ge [sflag:s26], $0x1000  }
0x38: {  	[sflag:s26] =	ssyncset.done $0x0  }
0x39: {  	[sflag:s26] =	ssyncadd.s32 $0xFFFFF000  }
0x3a: {  	_ =	swait.ge [sflag:s26], $0x1000  }
0x3b: {  	[sflag:s26] =	ssyncset.done $0x0  }
0x3c: {  	[sflag:s26] =	ssyncadd.s32 $0xFFFFF000  }
0x3d: {  	_ =	swait.ge [sflag:s26], $0x1000  }
0x3e: {  	[sflag:s26] =	ssyncset.done $0x0  }
0x3f: {  	[sflag:s26] =	ssyncadd.s32 $0xFFFFF000  }
0x40: {  	_ =	swait.ge [sflag:s26], $0x1000  }
0x41: {  	[sflag:s26] =	ssyncset.done $0x0  }
0x42: {  	[sflag:s26] =	ssyncadd.s32 $0xFFFFF000  }
0x43: {  	_ =	swait.ge [sflag:s26], $0x1000  }
0x44: {  	[sflag:s26] =	ssyncset.done $0x0  }
0x45: {  	s11 =	simm.s32 $0x500;
	[sflag:s26] =	ssyncadd.s32 $0xFFFFF000  }
0x46: {  	v9 =	vld [tilespmem:s11+$0xE0]  }
0x47: {  	v10 =	vld [tilespmem:s11+$0xC0]  }
0x48: {  	v11 =	vld [tilespmem:s11+$0xA0]  }
0x49: {  	v12 =	vld [tilespmem:s11+$0x80]  }
0x4a: {  	v13 =	vld [tilespmem:s11+$0x60]  }
0x4b: {  	v14 =	vld [tilespmem:s11+$0x40]  }
0x4c: {  	v15 =	vld [tilespmem:s11+$0x20]  }
0x4d: {  	v5 =	vld [tilespmem:s0+$0x0]  }
0x4e: {  	v16 =	vld [tilespmem:s11+$0x0]  }
0x4f: {  	s5 =	simm.s32 $0x8410;
	v17 =	vld [tilespmem:s11+$0xFFFFFFE0]  }
0x50: {  	v18 =	vld [tilespmem:s5+$0xFFFFFFF0]  }
0x51: {  	v19 =	vld [tilespmem:s11+$0xFFFFFFC0]  }
0x52: {  	v20 =	vld [tilespmem:s11+$0xFFFFFFA0];
	v6 =	vbroadcast v5, $0xE  }
0x53: {  	v21 =	vld [tilespmem:s11+$0xFFFFFF80];
	v8 =	vbroadcast v5, $0xC;
	v7 =	vbroadcast v5, $0xD  }
0x54: {  	v22 =	vld [tilespmem:s11+$0xFFFFFF00];
	v23 =	vbroadcast v5, $0xA;
	v24 =	vbroadcast v5, $0xB  }
0x55: {  	v25 =	vld [tilespmem:s11+$0xFFFFFF10];
	v26 =	vbroadcast v5, $0x8;
	v27 =	vbroadcast v5, $0x9;
	v9 =	vsub.f32 v9, v18  }
0x56: {  	v28 =	vld [tilespmem:s5+$0x0];
	v29 =	vbroadcast v5, $0x7;
	v11 =	vsub.f32 v11, v18;
	v10 =	vsub.f32 v10, v18  }
0x57: {  	v30 =	vld [tilespmem:s11+$0xFFFFFF20];
	v31 =	vbroadcast v5, $0x6;
	v13 =	vsub.f32 v13, v18;
	v12 =	vsub.f32 v12, v18  }
0x58: {  	v32 =	vld [tilespmem:s11+$0xFFFFFF30];
	v33 =	vbroadcast v5, $0x5;
	v15 =	vsub.f32 v15, v18;
	v14 =	vsub.f32 v14, v18  }
0x59: {  	v34 =	vld [tilespmem:s11+$0xFFFFFF40];
	v35 =	vbroadcast v5, $0x4;
	v17 =	vsub.f32 v17, v18;
	v16 =	vsub.f32 v16, v18  }
0x5a: {  	v36 =	vld [tilespmem:s11+$0xFFFFFF50];
	v37 =	vbroadcast v5, $0x3;
	v20 =	vsub.f32 v20, v18;
	v19 =	vsub.f32 v19, v18  }
0x5b: {  	v39 =	vld [tilespmem:s11+$0xFFFFFF60];
	v22 =	vsub.f32 v22, v18;
	v25 =	vsub.f32 v25, v28;
	v38 =	vbroadcast v5, $0x2  }
0x5c: {  	v41 =	vld [tilespmem:s11+$0xFFFFFF70];
	v30 =	vsub.f32 v30, v18;
	v40 =	vbroadcast v5, $0x1;
	v21 =	vsub.f32 v21, v18  }
0x5d: {  	v32 =	vsub.f32 v32, v28;
	v22 =	vand.u32 $0x7FFFFFFF, v22;
	v25 =	vand.u32 $0x7FFFFFFF, v25  }
0x5e: {  	v42 =	vld [tilespmem:s11+$0xFFFFFF90];
	v59 =	vbroadcast v5, $0x0;
	v34 =	vsub.f32 v34, v18;
	v22 =	vadd.f32 v25, v22  }
0x5f: {  	v36 =	vsub.f32 v36, v28;
	v30 =	vand.u32 $0x7FFFFFFF, v30;
	v32 =	vand.u32 $0x7FFFFFFF, v32  }
0x60: {  	v61 =	vld [tilespmem:s11+$0xFFFFFFB0];
	v18 =	vsub.f32 v39, v18;
	v60 =	vadd.f32 v32, v30;
	v22 =	vmul.f32 v22, v59  }
0x61: {  	v43 =	vsub.f32 v41, v28;
	v62 =	vand.u32 $0x7FFFFFFF, v34;
	v63 =	vand.u32 $0x7FFFFFFF, v36  }
0x62: {  	v44 =	vld [tilespmem:s11+$0xFFFFFFD0];
	v32 =	vadd.f32 v63, v62;
	v25 =	vmul.f32 v60, v40;
	v22 =	vadd.f32 $0.0e+00, v22  }
0x63: {  	v45 =	vsub.f32 v42, v28;
	v18 =	vand.u32 $0x7FFFFFFF, v18;
	v36 =	vand.u32 $0x7FFFFFFF, v43  }
0x64: {  	v47 =	vld [tilespmem:s11+$0xFFFFFFF0];
	v18 =	vadd.f32 v36, v18;
	v46 =	vmul.f32 v32, v38;
	v22 =	vadd.f32 v25, v22  }
0x65: {  	v21 =	vand.u32 $0x7FFFFFFF, v21;
	v48 =	vand.u32 $0x7FFFFFFF, v45;
	v30 =	vsub.f32 v61, v28  }
0x66: {  	v49 =	vld [tilespmem:s11+$0x10];
	v21 =	vadd.f32 v48, v21;
	v18 =	vmul.f32 v18, v37;
	v22 =	vadd.f32 v46, v22  }
0x67: {  	v20 =	vand.u32 $0x7FFFFFFF, v20;
	v34 =	vsub.f32 v44, v28;
	v30 =	vand.u32 $0x7FFFFFFF, v30  }
0x68: {  	v50 =	vld [tilespmem:s11+$0x30];
	v21 =	vmul.f32 v21, v35;
	v20 =	vadd.f32 v30, v20;
	v18 =	vadd.f32 v18, v22  }
0x69: {  	v19 =	vand.u32 $0x7FFFFFFF, v19;
	v51 =	vand.u32 $0x7FFFFFFF, v34;
	v32 =	vsub.f32 v47, v28  }
0x6a: {  	v52 =	vld [tilespmem:s11+$0x50];
	v19 =	vadd.f32 v51, v19;
	v20 =	vmul.f32 v20, v33;
	v18 =	vadd.f32 v21, v18  }
0x6b: {  	v17 =	vand.u32 $0x7FFFFFFF, v17;
	v53 =	vand.u32 $0x7FFFFFFF, v32;
	v25 =	vsub.f32 v49, v28  }
0x6c: {  	v54 =	vld [tilespmem:s11+$0x70];
	v19 =	vmul.f32 v19, v31;
	v17 =	vadd.f32 v53, v17;
	v18 =	vadd.f32 v20, v18  }
0x6d: {  	v16 =	vand.u32 $0x7FFFFFFF, v16;
	v25 =	vand.u32 $0x7FFFFFFF, v25;
	v22 =	vsub.f32 v50, v28  }
0x6e: {  	v55 =	vld [tilespmem:s11+$0x90];
	v17 =	vmul.f32 v17, v29;
	v16 =	vadd.f32 v25, v16;
	v18 =	vadd.f32 v19, v18  }
0x6f: {  	v15 =	vand.u32 $0x7FFFFFFF, v15;
	v22 =	vand.u32 $0x7FFFFFFF, v22;
	v21 =	vsub.f32 v52, v28  }
0x70: {  	v56 =	vld [tilespmem:s11+$0xB0];
	v16 =	vmul.f32 v16, v26;
	v15 =	vadd.f32 v22, v15;
	v17 =	vadd.f32 v17, v18  }
0x71: {  	v14 =	vand.u32 $0x7FFFFFFF, v14;
	v21 =	vand.u32 $0x7FFFFFFF, v21;
	v20 =	vsub.f32 v54, v28  }
0x72: {  	v57 =	vld [tilespmem:s11+$0xD0];
	v15 =	vmul.f32 v15, v27;
	v14 =	vadd.f32 v21, v14;
	v16 =	vadd.f32 v16, v17  }
0x73: {  	v13 =	vand.u32 $0x7FFFFFFF, v13;
	v20 =	vand.u32 $0x7FFFFFFF, v20;
	v19 =	vsub.f32 v55, v28  }
0x74: {  	v58 =	vld [tilespmem:s11+$0xF0];
	v14 =	vmul.f32 v14, v23;
	v13 =	vadd.f32 v20, v13;
	v15 =	vadd.f32 v15, v16  }
0x75: {  	v12 =	vand.u32 $0x7FFFFFFF, v12;
	v19 =	vand.u32 $0x7FFFFFFF, v19;
	v18 =	vsub.f32 v56, v28  }
0x76: {  	v13 =	vmul.f32 v13, v24;
	v12 =	vadd.f32 v19, v12;
	v14 =	vadd.f32 v14, v15  }
0x77: {  	v11 =	vand.u32 $0x7FFFFFFF, v11;
	v59 =	vand.u32 $0x7FFFFFFF, v18;
	v17 =	vsub.f32 v57, v28  }
0x78: {  	v8 =	vmul.f32 v12, v8;
	v11 =	vadd.f32 v59, v11;
	v13 =	vadd.f32 v13, v14  }
0x79: {  	v10 =	vand.u32 $0x7FFFFFFF, v10;
	v61 =	vsub.f32 v58, v28;
	v60 =	vand.u32 $0x7FFFFFFF, v17  }
0x7a: {  	v7 =	vmul.f32 v11, v7;
	v10 =	vadd.f32 v60, v10;
	v8 =	vadd.f32 v8, v13  }
0x7b: {  	v5 =	vbroadcast v5, $0xF;
	v9 =	vand.u32 $0x7FFFFFFF, v9;
	v62 =	vand.u32 $0x7FFFFFFF, v61  }
0x7c: {  	v63 =	vadd.f32 v62, v9;
	v6 =	vmul.f32 v10, v6;
	v7 =	vadd.f32 v7, v8;
	_ =	sdelay $0x1  }
0x7d: {  	v5 =	vmul.f32 v63, v5;
	v6 =	vadd.f32 v6, v7;
	_ =	sdelay $0x1  }
0x7e: {  	v5 =	vadd.f32 v5, v6;
	_ =	sdelay $0x1  }
0x7f: {  	v6 =	vperm.xlane v5, v0;
	_ =	sdelay $0x1  }
0x80: {  	v5 =	vadd.f32 v5, v6;
	_ =	sdelay $0x1  }
0x81: {  	v6 =	vperm.xlane v5, v1;
	_ =	sdelay $0x1  }
0x82: {  	v5 =	vadd.f32 v5, v6;
	_ =	sdelay $0x1  }
0x83: {  	v6 =	vperm.xlane v5, v2;
	_ =	sdelay $0x1  }
0x84: {  	v5 =	vadd.f32 v5, v6;
	_ =	sdelay $0x1  }
0x85: {  	v6 =	vperm.xlane v5, v3  }
0x86: {  	s1 =	sand.u32 $0xF, s1  }
0x87: {  	v5 =	vadd.f32 v5, v6;
	v6 =	vmov s1  }
0x88: {  	v7 =	vimm.f32 $0.0e+00;
	vm0 =	veq.s32 v6, v4  }
0x89: {  	p0 =	sne.s32 s1, $0xF;
	s11 =	simm.s32 $0x8FF1;
	v5 =	vsel vm0, v5, v7  }
0x8a: {  	s29 =	simm.s32 $0x1;
	s1 =	simm.s32 $0x700;
	[tilespmem:s11+$0x0] =	vst @!p0 v5  }
.LBB2_3:
0x8b: {  	v9 =	vld [tilespmem:s1+$0xE0];
	s8 =	smov.u32 s29  }
0x8c: {  	v12 =	vld [tilespmem:s1+$0xC0]  }
0x8d: {  	v14 =	vld [tilespmem:s1+$0xA0]  }
0x8e: {  	v16 =	vld [tilespmem:s1+$0x80]  }
0x8f: {  	v18 =	vld [tilespmem:s1+$0x60]  }
0x90: {  	v19 =	vld [tilespmem:s1+$0x40]  }
0x91: {  	s0 =	sadd.s32 $0x10, s0;
	v20 =	vld [tilespmem:s1+$0x20]  }
0x92: {  	v6 =	vld [tilespmem:s0+$0x0]  }
0x93: {  	v21 =	vld [tilespmem:s1+$0x0]  }
0x94: {  	s5 =	sadd.s32 $0x20, s5;
	v22 =	vld [tilespmem:s1+$0xFFFFFFE0]  }
0x95: {  	v23 =	vld [tilespmem:s5+$0xFFFFFFF0]  }
0x96: {  	v24 =	vld [tilespmem:s1+$0xFFFFFFC0]  }
0x97: {  	v25 =	vld [tilespmem:s1+$0xFFFFFFA0];
	v7 =	vbroadcast v6, $0xE  }
0x98: {  	v10 =	vbroadcast v6, $0xC;
	v8 =	vbroadcast v6, $0xD;
	v26 =	vld [tilespmem:s1+$0xFFFFFF80]  }
0x99: {  	v15 =	vbroadcast v6, $0xA;
	v13 =	vbroadcast v6, $0xB;
	v27 =	vld [tilespmem:s1+$0xFFFFFF00]  }
0x9a: {  	v29 =	vbroadcast v6, $0x8;
	v17 =	vbroadcast v6, $0x9;
	v28 =	vld [tilespmem:s1+$0xFFFFFF10];
	v9 =	vsub.f32 v9, v23  }
0x9b: {  	s29 =	sadd.s32 $0x1, s29;
	v30 =	vbroadcast v6, $0x7;
	v14 =	vsub.f32 v14, v23;
	v12 =	vsub.f32 v12, v23;
	v11 =	vld [tilespmem:s5+$0x0]  }
0x9c: {  	p0 =	sne.s32 s29, $0x40;
	v32 =	vbroadcast v6, $0x6;
	v18 =	vsub.f32 v18, v23;
	v16 =	vsub.f32 v16, v23;
	v31 =	vld [tilespmem:s1+$0xFFFFFF20]  }
0x9d: {  	v34 =	vbroadcast v6, $0x5;
	v20 =	vsub.f32 v20, v23;
	v19 =	vsub.f32 v19, v23;
	v33 =	vld [tilespmem:s1+$0xFFFFFF30]  }
0x9e: {  	v36 =	vbroadcast v6, $0x4;
	v22 =	vsub.f32 v22, v23;
	v21 =	vsub.f32 v21, v23;
	v35 =	vld [tilespmem:s1+$0xFFFFFF40]  }
0x9f: {  	v38 =	vbroadcast v6, $0x3;
	v24 =	vsub.f32 v24, v23;
	v25 =	vsub.f32 v25, v23;
	v37 =	vld [tilespmem:s1+$0xFFFFFF50]  }
0xa0: {  	v39 =	vbroadcast v6, $0x2;
	v27 =	vsub.f32 v27, v23;
	v28 =	vsub.f32 v28, v11;
	v40 =	vld [tilespmem:s1+$0xFFFFFF60]  }
0xa1: {  	v41 =	vbroadcast v6, $0x1;
	v26 =	vsub.f32 v26, v23;
	v31 =	vsub.f32 v31, v23;
	v42 =	vld [tilespmem:s1+$0xFFFFFF70]  }
0xa2: {  	v27 =	vand.u32 $0x7FFFFFFF, v27;
	v28 =	vand.u32 $0x7FFFFFFF, v28;
	v33 =	vsub.f32 v33, v11  }
0xa3: {  	v27 =	vadd.f32 v28, v27;
	v28 =	vbroadcast v6, $0x0;
	v35 =	vsub.f32 v35, v23;
	v43 =	vld [tilespmem:s1+$0xFFFFFF90]  }
0xa4: {  	v31 =	vand.u32 $0x7FFFFFFF, v31;
	v33 =	vand.u32 $0x7FFFFFFF, v33;
	v37 =	vsub.f32 v37, v11  }
0xa5: {  	v27 =	vmul.f32 v27, v28;
	v28 =	vadd.f32 v33, v31;
	v23 =	vsub.f32 v40, v23;
	v31 =	vld [tilespmem:s1+$0xFFFFFFB0]  }
0xa6: {  	v33 =	vand.u32 $0x7FFFFFFF, v35;
	v35 =	vand.u32 $0x7FFFFFFF, v37;
	v37 =	vsub.f32 v42, v11  }
0xa7: {  	v27 =	vadd.f32 $0.0e+00, v27;
	v28 =	vmul.f32 v28, v41;
	v33 =	vadd.f32 v35, v33;
	v35 =	vld [tilespmem:s1+$0xFFFFFFD0]  }
0xa8: {  	v23 =	vand.u32 $0x7FFFFFFF, v23;
	v37 =	vand.u32 $0x7FFFFFFF, v37;
	v40 =	vsub.f32 v43, v11  }
0xa9: {  	v27 =	vadd.f32 v28, v27;
	v28 =	vmul.f32 v33, v39;
	v23 =	vadd.f32 v37, v23;
	v33 =	vld [tilespmem:s1+$0xFFFFFFF0]  }
0xaa: {  	v26 =	vand.u32 $0x7FFFFFFF, v26;
	v37 =	vand.u32 $0x7FFFFFFF, v40;
	v31 =	vsub.f32 v31, v11  }
0xab: {  	v27 =	vadd.f32 v28, v27;
	v23 =	vmul.f32 v23, v38;
	v26 =	vadd.f32 v37, v26;
	v28 =	vld [tilespmem:s1+$0x10]  }
0xac: {  	v25 =	vand.u32 $0x7FFFFFFF, v25;
	v31 =	vand.u32 $0x7FFFFFFF, v31;
	v35 =	vsub.f32 v35, v11  }
0xad: {  	v23 =	vadd.f32 v23, v27;
	v26 =	vmul.f32 v26, v36;
	v25 =	vadd.f32 v31, v25;
	v27 =	vld [tilespmem:s1+$0x30]  }
0xae: {  	v24 =	vand.u32 $0x7FFFFFFF, v24;
	v31 =	vand.u32 $0x7FFFFFFF, v35;
	v33 =	vsub.f32 v33, v11  }
0xaf: {  	v23 =	vadd.f32 v26, v23;
	v25 =	vmul.f32 v25, v34;
	v24 =	vadd.f32 v31, v24;
	v26 =	vld [tilespmem:s1+$0x50]  }
0xb0: {  	v22 =	vand.u32 $0x7FFFFFFF, v22;
	v31 =	vand.u32 $0x7FFFFFFF, v33;
	v28 =	vsub.f32 v28, v11  }
0xb1: {  	v23 =	vadd.f32 v25, v23;
	v24 =	vmul.f32 v24, v32;
	v22 =	vadd.f32 v31, v22;
	v25 =	vld [tilespmem:s1+$0x70]  }
0xb2: {  	v21 =	vand.u32 $0x7FFFFFFF, v21;
	v28 =	vand.u32 $0x7FFFFFFF, v28;
	v27 =	vsub.f32 v27, v11  }
0xb3: {  	v23 =	vadd.f32 v24, v23;
	v22 =	vmul.f32 v22, v30;
	v21 =	vadd.f32 v28, v21;
	v24 =	vld [tilespmem:s1+$0x90]  }
0xb4: {  	v20 =	vand.u32 $0x7FFFFFFF, v20;
	v27 =	vand.u32 $0x7FFFFFFF, v27;
	v26 =	vsub.f32 v26, v11  }
0xb5: {  	v22 =	vadd.f32 v22, v23;
	v21 =	vmul.f32 v21, v29;
	v20 =	vadd.f32 v27, v20;
	v23 =	vld [tilespmem:s1+$0xB0]  }
0xb6: {  	v19 =	vand.u32 $0x7FFFFFFF, v19;
	v26 =	vand.u32 $0x7FFFFFFF, v26;
	v25 =	vsub.f32 v25, v11  }
0xb7: {  	v21 =	vadd.f32 v21, v22;
	v17 =	vmul.f32 v20, v17;
	v19 =	vadd.f32 v26, v19;
	v20 =	vld [tilespmem:s1+$0xD0]  }
0xb8: {  	v18 =	vand.u32 $0x7FFFFFFF, v18;
	v22 =	vand.u32 $0x7FFFFFFF, v25;
	v24 =	vsub.f32 v24, v11  }
0xb9: {  	v17 =	vadd.f32 v17, v21;
	v15 =	vmul.f32 v19, v15;
	v18 =	vadd.f32 v22, v18;
	v19 =	vld [tilespmem:s1+$0xF0]  }
0xba: {  	v16 =	vand.u32 $0x7FFFFFFF, v16;
	v21 =	vand.u32 $0x7FFFFFFF, v24;
	v22 =	vsub.f32 v23, v11  }
0xbb: {  	v15 =	vadd.f32 v15, v17;
	v13 =	vmul.f32 v18, v13;
	v16 =	vadd.f32 v21, v16  }
0xbc: {  	v14 =	vand.u32 $0x7FFFFFFF, v14;
	v17 =	vand.u32 $0x7FFFFFFF, v22;
	v18 =	vsub.f32 v20, v11  }
0xbd: {  	v13 =	vadd.f32 v13, v15;
	v10 =	vmul.f32 v16, v10;
	v14 =	vadd.f32 v17, v14  }
0xbe: {  	v12 =	vand.u32 $0x7FFFFFFF, v12;
	v15 =	vand.u32 $0x7FFFFFFF, v18;
	v11 =	vsub.f32 v19, v11  }
0xbf: {  	v10 =	vadd.f32 v10, v13;
	v8 =	vmul.f32 v14, v8;
	v12 =	vadd.f32 v15, v12  }
0xc0: {  	v9 =	vand.u32 $0x7FFFFFFF, v9;
	v6 =	vbroadcast v6, $0xF;
	v11 =	vand.u32 $0x7FFFFFFF, v11  }
0xc1: {  	v8 =	vadd.f32 v8, v10;
	v7 =	vmul.f32 v12, v7;
	v9 =	vadd.f32 v11, v9;
	_ =	sdelay $0x1  }
0xc2: {  	v7 =	vadd.f32 v7, v8;
	v6 =	vmul.f32 v9, v6;
	_ =	sdelay $0x1  }
0xc3: {  	v6 =	vadd.f32 v6, v7;
	_ =	sdelay $0x1  }
0xc4: {  	v7 =	vperm.xlane v6, v0;
	_ =	sdelay $0x1  }
0xc5: {  	v6 =	vadd.f32 v6, v7;
	_ =	sdelay $0x1  }
0xc6: {  	v7 =	vperm.xlane v6, v1;
	_ =	sdelay $0x1  }
0xc7: {  	v6 =	vadd.f32 v6, v7;
	_ =	sdelay $0x1  }
0xc8: {  	v7 =	vperm.xlane v6, v2;
	_ =	sdelay $0x1  }
0xc9: {  	v6 =	vadd.f32 v6, v7;
	_ =	sdelay $0x1  }
0xca: {  	v7 =	vperm.xlane v6, v3  }
.Ltmp0:
0xcb: {  	s8 =	sand.u32 $0xF, s8;
	(pc) =	sbr.rel @p0 .LBB2_3-.Ltmp0, $4  }
0xcc: {  	v6 =	vadd.f32 v6, v7;
	v7 =	vmov s8  }
0xcd: {  	vm0 =	veq.s32 v7, v4  }
0xce: {  	s11 =	sadd.s32 $0x1, s11;
	p1 =	sne.s32 s8, $0xF;
	v5 =	vsel vm0, v6, v5  }
0xcf: {  	s1 =	sadd.s32 $0x200, s1;
	[tilespmem:s11+$0x0] =	vst @!p1 v5  }
0xd0: {  	s30 =	sadd.s32 $0x1, s30  }
0xd1: {  	s0 =	sshrl.u32 s31, $0x3;
	p0 =	sne.s32 s30, $0x8  }
.Ltmp1:
0xd2: {  	s1 =	simm.s32 $0x0;
	s0 =	sadd.s32 s6, s0;
	(pc) =	sbr.rel @p0 .LBB2_2-.Ltmp1, $4  }
0xd3: {  	[hbm4b:s0+s1] =	stream.linear.scatter [tilespmem:s28], [sflag:$0x2], $0x40, $0x38;
	[tilespmem:$0x9040] =	vst v63  }
0xd4: {  	_ =	swait.ge [sflag:s12], $0x40  }
0xd5: {  	[sflag:s12] =	ssyncset.done $0x0  }
0xd6: {  	[sflag:s12] =	ssyncadd.s32 $0xFFFFFFC0  }
0xd7: {  	s1 =	rddreg [dreg:$0x3]  }
0xd8: {  	s0 =	rddreg [dreg:$0x2];
	s1 =	sadd.s32 $0x1, s1  }
0xd9: {  	p0 =	sne.s32 s1, s0  }
.Ltmp2:
0xda: {  	_ = 	snop;
	(pc) =	sbr.rel @p0 .LBB2_1-.Ltmp2, $1  }
0xdb: {  	_ =	sdelay $0x3  }
0xdc: {  	_ =	sfence.sel $0x180000  }
0xdd: {  	[bflag:$0x0] =	sbarrier.arrive $0xFFFF  }
0xde: {  	_ =	strace $0x90000047  }
0xdf: {  	s0 =	stileid.u32;
	[bflag:$0x2] =	sbarrier.arrive $0xFFFF  }
0xe0: {  	p0 =	sne.s32 s0, $0x0;
	s0 =	rddreg [dreg:$0x1]  }
0xe1: {  	s0 =	sadd.s32 @!p0 $0x100000, s0  }
0xe2: {  	[sflag:s0] =	ssyncadd.tile.s32 @!p0 $0x1;
	_ =	shalt  }
.Lfunc_end2:
_tile_overlayer_lowered:
.L_overlay_start_2:
0xe3: {  	(tag) =	ssettag $0x2  }
0xe4: {  	s0 =	rddreg [dreg:$0x0];
	s2 =	stileid.u32  }
0xe5: {  	s1 =	rddreg [dreg:$0x1];
	p0 =	sne.s32 s2, $0x0  }
0xe6: {  	s3 =	rddreg [dreg:$0x2];
	[bflag:$0x3] =	sbarrier.arrive $0xFFFF;
	s2 =	simm.s32 @!p0 $0x1C02  }
0xe7: {  	[timem:s3], [sflag:s2] =	dma.local @!p0 [hbm:s0], s1  }
0xe8: {  	s0 =	simm.s32 @!p0 $0x2  }
0xe9: {  	_ =	swait.ge @!p0 [sflag:s0], s1  }
0xea: {  	s1 =	ssub.s32 @!p0 $0x0, s1;
	[sflag:s0] =	ssyncset.done @!p0 $0x0  }
0xeb: {  	[sflag:s0] =	ssyncadd.s32 @!p0 s1  }
0xec: {  	[bflag:$0x3] =	sbarrier.arrive $0xFFFF  }
0xed: {  	_ =	shalt  }

</sc_bundles>
